<compile_context>
chip_gen: v7x
topology: tpu7x:2x2x1
jax: 0.10.2.dev20260603
libtpu: 0.0.44.dev20260713+nightly
codegen_flags: <defaults>
</compile_context>

<pallas_src>
import functools

import jax
import jax.numpy as jnp
from jax import lax
from jax.experimental import pallas as pl
from jax.experimental.pallas import tpu as pltpu
from jax.experimental.pallas import tpu_sc as plsc

NC = 2
NS = 16
NW = NC * NS
CHUNK = 80
DEG_W = 16
PIPE_G = 6


def _sc_mesh():
    return plsc.VectorSubcoreMesh(
        core_axis_name="c", subcore_axis_name="s", num_cores=NC, num_subcores=NS
    )


def _deg_body(edge_hbm, zeros_hbm, ones_hbm, deg_out, idx_v, ones_v, *scratch,
              n, n_pad, chunks):
    sems = scratch[:PIPE_G]
    deg_sh = scratch[PIPE_G]
    c = lax.axis_index("c")
    s = lax.axis_index("s")
    w = s * NC + c
    rpt = n_pad // NS
    tpe = chunks * CHUNK
    pltpu.sync_copy(zeros_hbm, deg_sh.at[pl.ds(s * rpt, rpt)])
    pltpu.sync_copy(edge_hbm.at[1, pl.ds(w * tpe, tpe)], idx_v)
    pltpu.sync_copy(ones_hbm, ones_v)
    plsc.subcore_barrier()

    ng = chunks // PIPE_G
    rem = chunks - ng * PIPE_G

    def group(base, count):
        descs = []
        for i in range(count):
            descs.append(
                pltpu.async_copy(
                    ones_v,
                    deg_sh.at[idx_v.at[pl.ds((base + i) * CHUNK, CHUNK)]],
                    sems[i], add=True)
            )
        for i in range(count):
            descs[i].wait()

    def body(g, carry):
        group(g * PIPE_G, PIPE_G)
        return carry

    lax.fori_loop(0, ng, body, 0)
    if rem:
        group(ng * PIPE_G, rem)
    plsc.subcore_barrier()
    pltpu.sync_copy(deg_sh.at[pl.ds(s * rpt, rpt)],
                    deg_out.at[c, pl.ds(s * rpt, rpt)])


def _edge_body(edge_hbm, y_hbm, zeros_hbm, acc_out,
               src_v, dst_v, *scratch, n, n_pad, chunks, hid):
    rows = scratch[:PIPE_G]
    sems = scratch[PIPE_G:2 * PIPE_G]
    y_sh, acc_sh = scratch[2 * PIPE_G:]
    c = lax.axis_index("c")
    s = lax.axis_index("s")
    w = s * NC + c
    rpt = n_pad // NS
    spt = n // NS
    pltpu.sync_copy(y_hbm.at[pl.ds(s * spt, spt)], y_sh.at[pl.ds(s * spt, spt)])

    @pl.when(c == 0)
    def _():
        pltpu.sync_copy(y_hbm.at[pl.ds(s * spt, spt)],
                        acc_sh.at[pl.ds(s * spt, spt)])

    @pl.when(c != 0)
    def _():
        pltpu.sync_copy(zeros_hbm, acc_sh.at[pl.ds(s * rpt, rpt)])

    tpe = chunks * CHUNK
    pltpu.sync_copy(edge_hbm.at[0, pl.ds(w * tpe, tpe)], src_v)
    pltpu.sync_copy(edge_hbm.at[1, pl.ds(w * tpe, tpe)], dst_v)
    plsc.subcore_barrier()

    ng = chunks // PIPE_G
    rem = chunks - ng * PIPE_G

    def group(base, count):
        gd = []
        for i in range(count):
            gd.append(
                pltpu.async_copy(
                    y_sh.at[src_v.at[pl.ds((base + i) * CHUNK, CHUNK)]],
                    rows[i], sems[i])
            )
        for i in range(count):
            gd[i].wait()
            pltpu.sync_copy(
                rows[i],
                acc_sh.at[dst_v.at[pl.ds((base + i) * CHUNK, CHUNK)]],
                add=True)

    def body(g, carry):
        group(g * PIPE_G, PIPE_G)
        return carry

    lax.fori_loop(0, ng, body, 0)
    if rem:
        group(ng * PIPE_G, rem)
    plsc.subcore_barrier()
    pltpu.sync_copy(acc_sh.at[pl.ds(s * rpt, rpt)],
                    acc_out.at[c, pl.ds(s * rpt, rpt)])


def _tc_x_body(x_ref, wg_ref, wps_ref, bps_ref, xw_ref, zsem_ref):
    xw_ref[...] = jnp.dot(x_ref[...], wg_ref[...],
                          preferred_element_type=jnp.float32)
    zsem_ref[...] = (
        jnp.dot(x_ref[...], wps_ref[...], preferred_element_type=jnp.float32)
        + bps_ref[...]
    )


def _tc_y_body(xw_ref, degp_ref, y_ref):
    d = degp_ref[...]
    deg = d[0, :, :1] + d[1, :, :1] + 1.0
    dinv = lax.rsqrt(deg)
    y_ref[...] = xw_ref[...] * dinv


def _tc_e_body(acc_ref, degp_ref, zsem_ref, bg_ref, wpt_ref, bpt_ref,
               wcls_ref, bcls_ref, logits_ref, anom_ref, ztopo_ref):
    d = degp_ref[...]
    deg = d[0, :, :1] + d[1, :, :1] + 1.0
    dinv = lax.rsqrt(deg)
    a = acc_ref[...]
    pre = a[0] + a[1]
    h = jnp.maximum(pre * dinv + bg_ref[...], 0.0)
    zt = jnp.dot(h, wpt_ref[...], preferred_element_type=jnp.float32) + bpt_ref[...]
    ztopo_ref[...] = zt
    logits_ref[...] = (
        jnp.dot(zt, wcls_ref[...], preferred_element_type=jnp.float32)
        + bcls_ref[...]
    )
    diff = zt - zsem_ref[...]
    anom_ref[...] = jnp.sqrt(jnp.sum(diff * diff, axis=1, keepdims=True))


def kernel(x, edge_index, W_gcn, b_gcn, W_pt, b_pt, W_ps, b_ps, W_cls, b_cls):
    n, in_dim = x.shape
    hid = W_gcn.shape[1]
    al = W_pt.shape[1]
    ncls = W_cls.shape[1]
    e = edge_index.shape[1]

    chunks = e // (NW * CHUNK)
    n_pad = n
    tpe = chunks * CHUNK

    zeros_deg = jnp.zeros((n_pad // NS, DEG_W), jnp.float32)
    ones_blk = jnp.ones((CHUNK, DEG_W), jnp.float32)
    zeros_acc = jnp.zeros((n_pad // NS, hid), jnp.float32)

    deg_fn = pl.kernel(
        functools.partial(_deg_body, n=n, n_pad=n_pad, chunks=chunks),
        out_type=jax.ShapeDtypeStruct((NC, n_pad, DEG_W), jnp.float32),
        mesh=_sc_mesh(),
        scratch_types=[
            pltpu.VMEM((tpe,), jnp.int32),
            pltpu.VMEM((CHUNK, DEG_W), jnp.float32),
            *[pltpu.SemaphoreType.DMA for _ in range(PIPE_G)],
            pltpu.VMEM_SHARED((n_pad, DEG_W), jnp.float32),
        ],
        compiler_params=pltpu.CompilerParams(use_tc_tiling_on_sc=False),
    )
    deg_p = deg_fn(edge_index, zeros_deg, ones_blk)

    blk = 2000
    grid = (n // blk,)
    xw, z_sem = pl.pallas_call(
        _tc_x_body,
        grid=grid,
        in_specs=[
            pl.BlockSpec((blk, in_dim), lambda i: (i, 0)),
            pl.BlockSpec((in_dim, hid), lambda i: (0, 0)),
            pl.BlockSpec((in_dim, al), lambda i: (0, 0)),
            pl.BlockSpec((1, al), lambda i: (0, 0)),
        ],
        out_specs=[
            pl.BlockSpec((blk, hid), lambda i: (i, 0)),
            pl.BlockSpec((blk, al), lambda i: (i, 0)),
        ],
        out_shape=[
            jax.ShapeDtypeStruct((n, hid), jnp.float32),
            jax.ShapeDtypeStruct((n, al), jnp.float32),
        ],
    )(x, W_gcn, W_ps, b_ps.reshape(1, al))

    y = pl.pallas_call(
        _tc_y_body,
        grid=grid,
        in_specs=[
            pl.BlockSpec((blk, hid), lambda i: (i, 0)),
            pl.BlockSpec((NC, blk, DEG_W), lambda i: (0, i, 0)),
        ],
        out_specs=pl.BlockSpec((blk, hid), lambda i: (i, 0)),
        out_shape=jax.ShapeDtypeStruct((n, hid), jnp.float32),
    )(xw, deg_p)

    acc_fn = pl.kernel(
        functools.partial(_edge_body, n=n, n_pad=n_pad, chunks=chunks, hid=hid),
        out_type=jax.ShapeDtypeStruct((NC, n_pad, hid), jnp.float32),
        mesh=_sc_mesh(),
        scratch_types=[
            pltpu.VMEM((tpe,), jnp.int32),
            pltpu.VMEM((tpe,), jnp.int32),
            *[pltpu.VMEM((CHUNK, hid), jnp.float32) for _ in range(PIPE_G)],
            *[pltpu.SemaphoreType.DMA for _ in range(PIPE_G)],
            pltpu.VMEM_SHARED((n_pad, hid), jnp.float32),
            pltpu.VMEM_SHARED((n_pad, hid), jnp.float32),
        ],
        compiler_params=pltpu.CompilerParams(use_tc_tiling_on_sc=False),
    )
    acc = acc_fn(edge_index, y, zeros_acc)

    logits, anom, z_topo = pl.pallas_call(
        _tc_e_body,
        grid=grid,
        in_specs=[
            pl.BlockSpec((NC, blk, hid), lambda i: (0, i, 0)),
            pl.BlockSpec((NC, blk, DEG_W), lambda i: (0, i, 0)),
            pl.BlockSpec((blk, al), lambda i: (i, 0)),
            pl.BlockSpec((1, hid), lambda i: (0, 0)),
            pl.BlockSpec((hid, al), lambda i: (0, 0)),
            pl.BlockSpec((1, al), lambda i: (0, 0)),
            pl.BlockSpec((al, ncls), lambda i: (0, 0)),
            pl.BlockSpec((1, ncls), lambda i: (0, 0)),
        ],
        out_specs=[
            pl.BlockSpec((blk, ncls), lambda i: (i, 0)),
            pl.BlockSpec((blk, 1), lambda i: (i, 0)),
            pl.BlockSpec((blk, al), lambda i: (i, 0)),
        ],
        out_shape=[
            jax.ShapeDtypeStruct((n, ncls), jnp.float32),
            jax.ShapeDtypeStruct((n, 1), jnp.float32),
            jax.ShapeDtypeStruct((n, al), jnp.float32),
        ],
    )(acc, deg_p, z_sem, b_gcn.reshape(1, hid), W_pt, b_pt.reshape(1, al),
      W_cls, b_cls.reshape(1, ncls))

    return (logits, anom.reshape(n), z_topo, z_sem)

# --- scband reference (transcript-rebuilt; emitter-appended) ---
"""Pipeline reference for scband-node-anomaly-aware-model-7103875908246 (READ-ONLY COPY).

The authoritative reference and input builder live on the scoring server;
editing this copy changes nothing except your own understanding.
"""

import jax, jax.numpy as jnp
import numpy as np

N = 10000
E = 320000
IN_DIM = 128
HID = 64
ALIGN = 32
NUM_CLASSES = 7


def setup_inputs(seed: int = 0) -> dict:
    key = jax.random.key(seed)
    ks = jax.random.split(key, 10)
    x = jax.random.normal(ks[0], (N, IN_DIM), dtype=jnp.float32)
    edge_index = jax.random.randint(ks[1], (2, E), 0, N, dtype=jnp.int32)
    W_gcn = jax.random.normal(ks[2], (IN_DIM, HID), dtype=jnp.float32) * (1.0 / np.sqrt(IN_DIM))
    b_gcn = jnp.zeros((HID,), dtype=jnp.float32)
    W_pt = jax.random.normal(ks[3], (HID, ALIGN), dtype=jnp.float32) * (1.0 / np.sqrt(HID))
    b_pt = jnp.zeros((ALIGN,), dtype=jnp.float32)
    W_ps = jax.random.normal(ks[4], (IN_DIM, ALIGN), dtype=jnp.float32) * (1.0 / np.sqrt(IN_DIM))
    b_ps = jnp.zeros((ALIGN,), dtype=jnp.float32)
    W_cls = jax.random.normal(ks[5], (ALIGN, NUM_CLASSES), dtype=jnp.float32) * (1.0 / np.sqrt(ALIGN))
    b_cls = jnp.zeros((NUM_CLASSES,), dtype=jnp.float32)
    return {"x": x, "edge_index": edge_index, "W_gcn": W_gcn, "b_gcn": b_gcn,
            "W_pt": W_pt, "b_pt": b_pt, "W_ps": W_ps, "b_ps": b_ps,
            "W_cls": W_cls, "b_cls": b_cls}


def gcn_conv(x, edge_index, W, b):
    # GCNConv: D^{-1/2} (A + I) D^{-1/2} X W + b (symmetric norm, self-loops)
    n = x.shape[0]
    loop = jnp.arange(n, dtype=edge_index.dtype)
    src = jnp.concatenate([edge_index[0], loop])
    dst = jnp.concatenate([edge_index[1], loop])
    deg = jnp.zeros((n,), dtype=x.dtype).at[dst].add(1.0)
    dinv = jnp.where(deg > 0, jax.lax.rsqrt(deg), 0.0)
    norm = dinv[src] * dinv[dst]
    xw = x @ W
    msg = jnp.take(xw, src, axis=0) * norm[:, None]
    out = jnp.zeros((n, W.shape[1]), dtype=x.dtype).at[dst].add(msg)
    return out + b


def reference(x, edge_index, W_gcn, b_gcn, W_pt, b_pt, W_ps, b_ps, W_cls, b_cls):
    h_topo = jax.nn.relu(gcn_conv(x, edge_index, W_gcn, b_gcn))
    z_topo = h_topo @ W_pt + b_pt
    z_sem = x @ W_ps + b_ps
    logits = z_topo @ W_cls + b_cls
    diff = z_topo - z_sem
    anomaly_scores = jnp.sqrt(jnp.sum(diff * diff, axis=-1))
    return (logits, anomaly_scores, z_topo, z_sem)

if __name__ == "__main__":
    import jax
    _d = setup_inputs()
    print(jax.jit(kernel)(*tuple(_d.values())))

</pallas_src>

<mosaic_0001>
#map = affine_map<(d0, d1) -> (0, 0)>
#map1 = affine_map<(d0, d1) -> (0, 0, 0)>
module attributes {stable_mosaic.version = 14 : i64} {
  func.func @_deg_body(%arg0: i32, %arg1: i32, %arg2: memref<2x320000xi32, #tpu.memory_space<hbm>>, %arg3: memref<625x16xf32, #tpu.memory_space<hbm>>, %arg4: memref<80x16xf32, #tpu.memory_space<hbm>>, %arg5: memref<2x10000x16xf32, #tpu.memory_space<hbm>>, %arg6: memref<10000xi32, #tpu.memory_space<vmem>>, %arg7: memref<80x16xf32, #tpu.memory_space<vmem>>, %arg8: memref<!tpu.dma_semaphore, #tpu.memory_space<semaphore_mem>>, %arg9: memref<!tpu.dma_semaphore, #tpu.memory_space<semaphore_mem>>, %arg10: memref<!tpu.dma_semaphore, #tpu.memory_space<semaphore_mem>>, %arg11: memref<!tpu.dma_semaphore, #tpu.memory_space<semaphore_mem>>, %arg12: memref<!tpu.dma_semaphore, #tpu.memory_space<semaphore_mem>>, %arg13: memref<!tpu.dma_semaphore, #tpu.memory_space<semaphore_mem>>, %arg14: memref<10000x16xf32, #tpu.memory_space<vmem_shared>>) attributes {dimension_semantics = [#tpu.dimension_semantics<core_parallel>, #tpu.dimension_semantics<subcore_parallel>], iteration_bounds = array<i64: 2, 16>, scalar_prefetch = 0 : i64, scratch_operands = 9 : i64, tpu.core_type = #tpu.core_type<sc_vector_subcore>, window_params = [{transform_indices = #map}, {transform_indices = #map}, {transform_indices = #map}, {transform_indices = #map1}]} {
    %mul3A = arith.constant 2 : i32
    %mul3A_0 = arith.muli %arg1, %mul3A : i32
    %add3A = arith.addi %mul3A_0, %arg0 : i32
    %mul3A_1 = arith.constant 625 : i32
    %mul3A_2 = arith.muli %arg1, %mul3A_1 : i32
    "tpu.region"() ({
      %run_scoped3A_63 = tpu.sem_alloc : memref<!tpu.dma_semaphore, #tpu.memory_space<semaphore_mem>>
      %dma_start3A_64 = arith.constant 0 : i32
      %dma_start3A_65 = tpu.memref_slice %arg14[%mul3A_2, %dma_start3A_64] : memref<10000x16xf32, #tpu.memory_space<vmem_shared>> -> memref<625x16xf32, #tpu.memory_space<vmem_shared>>
      tpu.enqueue_dma source(%arg3 : memref<625x16xf32, #tpu.memory_space<hbm>>) target(%dma_start3A_65 : memref<625x16xf32, #tpu.memory_space<vmem_shared>>) target_semaphore(%run_scoped3A_63 : memref<!tpu.dma_semaphore, #tpu.memory_space<semaphore_mem>>)
      %dma_wait3A_66 = arith.constant 0 : i32
      %dma_wait3A_67 = tpu.memref_slice %arg14[%mul3A_2, %dma_wait3A_66] : memref<10000x16xf32, #tpu.memory_space<vmem_shared>> -> memref<625x16xf32, #tpu.memory_space<vmem_shared>>
      tpu.wait_dma2 semaphore(%run_scoped3A_63 : memref<!tpu.dma_semaphore, #tpu.memory_space<semaphore_mem>>) src(%arg3 : memref<625x16xf32, #tpu.memory_space<hbm>>) dst(%dma_wait3A_67 : memref<625x16xf32, #tpu.memory_space<vmem_shared>>)
      tpu.yield
    }) : () -> ()
    %mul3A_3 = arith.constant 10000 : i32
    %mul3A_4 = arith.muli %add3A, %mul3A_3 : i32
    %run_scoped3A = arith.constant 1 : i32
    "tpu.region"() ({
      %run_scoped3A_63 = tpu.sem_alloc : memref<!tpu.dma_semaphore, #tpu.memory_space<semaphore_mem>>
      %dma_start3A_64 = tpu.memref_slice %arg2[%run_scoped3A, %mul3A_4] : memref<2x320000xi32, #tpu.memory_space<hbm>> -> memref<1x10000xi32, #tpu.memory_space<hbm>>
      %dma_start3A_65 = tpu.memref_squeeze %dma_start3A_64 : memref<1x10000xi32, #tpu.memory_space<hbm>> -> memref<10000xi32, #tpu.memory_space<hbm>>
      %dma_start3A_66 = tpu.memref_slice %arg2[%run_scoped3A, %mul3A_4] : memref<2x320000xi32, #tpu.memory_space<hbm>> -> memref<1x10000xi32, #tpu.memory_space<hbm>>
      %dma_start3A_67 = tpu.memref_squeeze %dma_start3A_66 : memref<1x10000xi32, #tpu.memory_space<hbm>> -> memref<10000xi32, #tpu.memory_space<hbm>>
      tpu.enqueue_dma source(%dma_start3A_67 : memref<10000xi32, #tpu.memory_space<hbm>>) target(%arg6 : memref<10000xi32, #tpu.memory_space<vmem>>) target_semaphore(%run_scoped3A_63 : memref<!tpu.dma_semaphore, #tpu.memory_space<semaphore_mem>>)
      %dma_wait3A_68 = tpu.memref_slice %arg2[%run_scoped3A, %mul3A_4] : memref<2x320000xi32, #tpu.memory_space<hbm>> -> memref<1x10000xi32, #tpu.memory_space<hbm>>
      %dma_wait3A_69 = tpu.memref_squeeze %dma_wait3A_68 : memref<1x10000xi32, #tpu.memory_space<hbm>> -> memref<10000xi32, #tpu.memory_space<hbm>>
      %dma_wait3A_70 = tpu.memref_slice %arg2[%run_scoped3A, %mul3A_4] : memref<2x320000xi32, #tpu.memory_space<hbm>> -> memref<1x10000xi32, #tpu.memory_space<hbm>>
      %dma_wait3A_71 = tpu.memref_squeeze %dma_wait3A_70 : memref<1x10000xi32, #tpu.memory_space<hbm>> -> memref<10000xi32, #tpu.memory_space<hbm>>
      tpu.wait_dma2 semaphore(%run_scoped3A_63 : memref<!tpu.dma_semaphore, #tpu.memory_space<semaphore_mem>>) src(%dma_wait3A_71 : memref<10000xi32, #tpu.memory_space<hbm>>) dst(%arg6 : memref<10000xi32, #tpu.memory_space<vmem>>)
      tpu.yield
    }) : () -> ()
    "tpu.region"() ({
      %run_scoped3A_63 = tpu.sem_alloc : memref<!tpu.dma_semaphore, #tpu.memory_space<semaphore_mem>>
      tpu.enqueue_dma source(%arg4 : memref<80x16xf32, #tpu.memory_space<hbm>>) target(%arg7 : memref<80x16xf32, #tpu.memory_space<vmem>>) target_semaphore(%run_scoped3A_63 : memref<!tpu.dma_semaphore, #tpu.memory_space<semaphore_mem>>)
      tpu.wait_dma2 semaphore(%run_scoped3A_63 : memref<!tpu.dma_semaphore, #tpu.memory_space<semaphore_mem>>) src(%arg4 : memref<80x16xf32, #tpu.memory_space<hbm>>) dst(%arg7 : memref<80x16xf32, #tpu.memory_space<vmem>>)
      tpu.yield
    }) : () -> ()
    %barrier3A = arith.constant 0 : index
    tpu.barrier barrier_id(%barrier3A)
    %scan3A = arith.constant 0 : i32
    %scan3A_5 = arith.constant 0 : i32
    %scan3A_6 = arith.constant 20 : i32
    %scan3A_7 = arith.addi %scan3A_5, %scan3A_6 : i32
    %scan3A_8 = arith.constant 1 : i32
    scf.for %scan3A_63 = %scan3A_5 to %scan3A_7 step %scan3A_8  : i32 {
      %mul3A_64 = arith.constant 6 : i32
      %mul3A_65 = arith.muli %scan3A_63, %mul3A_64 : i32
      %add3A_66 = arith.constant 0 : i32
      %add3A_67 = arith.addi %mul3A_65, %add3A_66 : i32
      %mul3A_68 = arith.constant 80 : i32
      %mul3A_69 = arith.muli %add3A_67, %mul3A_68 : i32
      %dma_start3A_70 = tpu.memref_slice %arg6[%mul3A_69] : memref<10000xi32, #tpu.memory_space<vmem>> -> memref<80xi32, #tpu.memory_space<vmem>>
      %dma_start3A_71 = arith.constant 0 : i32
      %dma_start3A_72 = arith.constant 0 : i32
      %dma_start3A_73 = tpu.memref_slice %arg14[%dma_start3A_71, %dma_start3A_72] : memref<10000x16xf32, #tpu.memory_space<vmem_shared>> -> memref<10000x16xf32, #tpu.memory_space<vmem_shared>>
      tpu.enqueue_indirect_dma source(%arg7 : memref<80x16xf32, #tpu.memory_space<vmem>>) target(%dma_start3A_73 : memref<10000x16xf32, #tpu.memory_space<vmem_shared>>) offsets(%dma_start3A_70 : memref<80xi32, #tpu.memory_space<vmem>>) semaphore(%arg8 : memref<!tpu.dma_semaphore, #tpu.memory_space<semaphore_mem>>) {add = true}
      %add3A_74 = arith.constant 1 : i32
      %add3A_75 = arith.addi %mul3A_65, %add3A_74 : i32
      %mul3A_76 = arith.constant 80 : i32
      %mul3A_77 = arith.muli %add3A_75, %mul3A_76 : i32
      %dma_start3A_78 = tpu.memref_slice %arg6[%mul3A_77] : memref<10000xi32, #tpu.memory_space<vmem>> -> memref<80xi32, #tpu.memory_space<vmem>>
      %dma_start3A_79 = arith.constant 0 : i32
      %dma_start3A_80 = arith.constant 0 : i32
      %dma_start3A_81 = tpu.memref_slice %arg14[%dma_start3A_79, %dma_start3A_80] : memref<10000x16xf32, #tpu.memory_space<vmem_shared>> -> memref<10000x16xf32, #tpu.memory_space<vmem_shared>>
      tpu.enqueue_indirect_dma source(%arg7 : memref<80x16xf32, #tpu.memory_space<vmem>>) target(%dma_start3A_81 : memref<10000x16xf32, #tpu.memory_space<vmem_shared>>) offsets(%dma_start3A_78 : memref<80xi32, #tpu.memory_space<vmem>>) semaphore(%arg9 : memref<!tpu.dma_semaphore, #tpu.memory_space<semaphore_mem>>) {add = true}
      %add3A_82 = arith.constant 2 : i32
      %add3A_83 = arith.addi %mul3A_65, %add3A_82 : i32
      %mul3A_84 = arith.constant 80 : i32
      %mul3A_85 = arith.muli %add3A_83, %mul3A_84 : i32
      %dma_start3A_86 = tpu.memref_slice %arg6[%mul3A_85] : memref<10000xi32, #tpu.memory_space<vmem>> -> memref<80xi32, #tpu.memory_space<vmem>>
      %dma_start3A_87 = arith.constant 0 : i32
      %dma_start3A_88 = arith.constant 0 : i32
      %dma_start3A_89 = tpu.memref_slice %arg14[%dma_start3A_87, %dma_start3A_88] : memref<10000x16xf32, #tpu.memory_space<vmem_shared>> -> memref<10000x16xf32, #tpu.memory_space<vmem_shared>>
      tpu.enqueue_indirect_dma source(%arg7 : memref<80x16xf32, #tpu.memory_space<vmem>>) target(%dma_start3A_89 : memref<10000x16xf32, #tpu.memory_space<vmem_shared>>) offsets(%dma_start3A_86 : memref<80xi32, #tpu.memory_space<vmem>>) semaphore(%arg10 : memref<!tpu.dma_semaphore, #tpu.memory_space<semaphore_mem>>) {add = true}
      %add3A_90 = arith.constant 3 : i32
      %add3A_91 = arith.addi %mul3A_65, %add3A_90 : i32
      %mul3A_92 = arith.constant 80 : i32
      %mul3A_93 = arith.muli %add3A_91, %mul3A_92 : i32
      %dma_start3A_94 = tpu.memref_slice %arg6[%mul3A_93] : memref<10000xi32, #tpu.memory_space<vmem>> -> memref<80xi32, #tpu.memory_space<vmem>>
      %dma_start3A_95 = arith.constant 0 : i32
      %dma_start3A_96 = arith.constant 0 : i32
      %dma_start3A_97 = tpu.memref_slice %arg14[%dma_start3A_95, %dma_start3A_96] : memref<10000x16xf32, #tpu.memory_space<vmem_shared>> -> memref<10000x16xf32, #tpu.memory_space<vmem_shared>>
      tpu.enqueue_indirect_dma source(%arg7 : memref<80x16xf32, #tpu.memory_space<vmem>>) target(%dma_start3A_97 : memref<10000x16xf32, #tpu.memory_space<vmem_shared>>) offsets(%dma_start3A_94 : memref<80xi32, #tpu.memory_space<vmem>>) semaphore(%arg11 : memref<!tpu.dma_semaphore, #tpu.memory_space<semaphore_mem>>) {add = true}
      %add3A_98 = arith.constant 4 : i32
      %add3A_99 = arith.addi %mul3A_65, %add3A_98 : i32
      %mul3A_100 = arith.constant 80 : i32
      %mul3A_101 = arith.muli %add3A_99, %mul3A_100 : i32
      %dma_start3A_102 = tpu.memref_slice %arg6[%mul3A_101] : memref<10000xi32, #tpu.memory_space<vmem>> -> memref<80xi32, #tpu.memory_space<vmem>>
      %dma_start3A_103 = arith.constant 0 : i32
      %dma_start3A_104 = arith.constant 0 : i32
      %dma_start3A_105 = tpu.memref_slice %arg14[%dma_start3A_103, %dma_start3A_104] : memref<10000x16xf32, #tpu.memory_space<vmem_shared>> -> memref<10000x16xf32, #tpu.memory_space<vmem_shared>>
      tpu.enqueue_indirect_dma source(%arg7 : memref<80x16xf32, #tpu.memory_space<vmem>>) target(%dma_start3A_105 : memref<10000x16xf32, #tpu.memory_space<vmem_shared>>) offsets(%dma_start3A_102 : memref<80xi32, #tpu.memory_space<vmem>>) semaphore(%arg12 : memref<!tpu.dma_semaphore, #tpu.memory_space<semaphore_mem>>) {add = true}
      %add3A_106 = arith.constant 5 : i32
      %add3A_107 = arith.addi %mul3A_65, %add3A_106 : i32
      %mul3A_108 = arith.constant 80 : i32
      %mul3A_109 = arith.muli %add3A_107, %mul3A_108 : i32
      %dma_start3A_110 = tpu.memref_slice %arg6[%mul3A_109] : memref<10000xi32, #tpu.memory_space<vmem>> -> memref<80xi32, #tpu.memory_space<vmem>>
      %dma_start3A_111 = arith.constant 0 : i32
      %dma_start3A_112 = arith.constant 0 : i32
      %dma_start3A_113 = tpu.memref_slice %arg14[%dma_start3A_111, %dma_start3A_112] : memref<10000x16xf32, #tpu.memory_space<vmem_shared>> -> memref<10000x16xf32, #tpu.memory_space<vmem_shared>>
      tpu.enqueue_indirect_dma source(%arg7 : memref<80x16xf32, #tpu.memory_space<vmem>>) target(%dma_start3A_113 : memref<10000x16xf32, #tpu.memory_space<vmem_shared>>) offsets(%dma_start3A_110 : memref<80xi32, #tpu.memory_space<vmem>>) semaphore(%arg13 : memref<!tpu.dma_semaphore, #tpu.memory_space<semaphore_mem>>) {add = true}
      %dma_wait3A_114 = tpu.memref_slice %arg6[%mul3A_69] : memref<10000xi32, #tpu.memory_space<vmem>> -> memref<80xi32, #tpu.memory_space<vmem>>
      %dma_wait3A_115 = arith.constant 0 : i32
      %dma_wait3A_116 = arith.constant 0 : i32
      %dma_wait3A_117 = tpu.memref_slice %arg14[%dma_wait3A_115, %dma_wait3A_116] : memref<10000x16xf32, #tpu.memory_space<vmem_shared>> -> memref<10000x16xf32, #tpu.memory_space<vmem_shared>>
      tpu.wait_indirect_dma semaphore(%arg8 : memref<!tpu.dma_semaphore, #tpu.memory_space<semaphore_mem>>) src(%arg7 : memref<80x16xf32, #tpu.memory_space<vmem>>) dst(%dma_wait3A_117 : memref<10000x16xf32, #tpu.memory_space<vmem_shared>>)
      %dma_wait3A_118 = tpu.memref_slice %arg6[%mul3A_77] : memref<10000xi32, #tpu.memory_space<vmem>> -> memref<80xi32, #tpu.memory_space<vmem>>
      %dma_wait3A_119 = arith.constant 0 : i32
      %dma_wait3A_120 = arith.constant 0 : i32
      %dma_wait3A_121 = tpu.memref_slice %arg14[%dma_wait3A_119, %dma_wait3A_120] : memref<10000x16xf32, #tpu.memory_space<vmem_shared>> -> memref<10000x16xf32, #tpu.memory_space<vmem_shared>>
      tpu.wait_indirect_dma semaphore(%arg9 : memref<!tpu.dma_semaphore, #tpu.memory_space<semaphore_mem>>) src(%arg7 : memref<80x16xf32, #tpu.memory_space<vmem>>) dst(%dma_wait3A_121 : memref<10000x16xf32, #tpu.memory_space<vmem_shared>>)
      %dma_wait3A_122 = tpu.memref_slice %arg6[%mul3A_85] : memref<10000xi32, #tpu.memory_space<vmem>> -> memref<80xi32, #tpu.memory_space<vmem>>
      %dma_wait3A_123 = arith.constant 0 : i32
      %dma_wait3A_124 = arith.constant 0 : i32
      %dma_wait3A_125 = tpu.memref_slice %arg14[%dma_wait3A_123, %dma_wait3A_124] : memref<10000x16xf32, #tpu.memory_space<vmem_shared>> -> memref<10000x16xf32, #tpu.memory_space<vmem_shared>>
      tpu.wait_indirect_dma semaphore(%arg10 : memref<!tpu.dma_semaphore, #tpu.memory_space<semaphore_mem>>) src(%arg7 : memref<80x16xf32, #tpu.memory_space<vmem>>) dst(%dma_wait3A_125 : memref<10000x16xf32, #tpu.memory_space<vmem_shared>>)
      %dma_wait3A_126 = tpu.memref_slice %arg6[%mul3A_93] : memref<10000xi32, #tpu.memory_space<vmem>> -> memref<80xi32, #tpu.memory_space<vmem>>
      %dma_wait3A_127 = arith.constant 0 : i32
      %dma_wait3A_128 = arith.constant 0 : i32
      %dma_wait3A_129 = tpu.memref_slice %arg14[%dma_wait3A_127, %dma_wait3A_128] : memref<10000x16xf32, #tpu.memory_space<vmem_shared>> -> memref<10000x16xf32, #tpu.memory_space<vmem_shared>>
      tpu.wait_indirect_dma semaphore(%arg11 : memref<!tpu.dma_semaphore, #tpu.memory_space<semaphore_mem>>) src(%arg7 : memref<80x16xf32, #tpu.memory_space<vmem>>) dst(%dma_wait3A_129 : memref<10000x16xf32, #tpu.memory_space<vmem_shared>>)
      %dma_wait3A_130 = tpu.memref_slice %arg6[%mul3A_101] : memref<10000xi32, #tpu.memory_space<vmem>> -> memref<80xi32, #tpu.memory_space<vmem>>
      %dma_wait3A_131 = arith.constant 0 : i32
      %dma_wait3A_132 = arith.constant 0 : i32
      %dma_wait3A_133 = tpu.memref_slice %arg14[%dma_wait3A_131, %dma_wait3A_132] : memref<10000x16xf32, #tpu.memory_space<vmem_shared>> -> memref<10000x16xf32, #tpu.memory_space<vmem_shared>>
      tpu.wait_indirect_dma semaphore(%arg12 : memref<!tpu.dma_semaphore, #tpu.memory_space<semaphore_mem>>) src(%arg7 : memref<80x16xf32, #tpu.memory_space<vmem>>) dst(%dma_wait3A_133 : memref<10000x16xf32, #tpu.memory_space<vmem_shared>>)
      %dma_wait3A_134 = tpu.memref_slice %arg6[%mul3A_109] : memref<10000xi32, #tpu.memory_space<vmem>> -> memref<80xi32, #tpu.memory_space<vmem>>
      %dma_wait3A_135 = arith.constant 0 : i32
      %dma_wait3A_136 = arith.constant 0 : i32
      %dma_wait3A_137 = tpu.memref_slice %arg14[%dma_wait3A_135, %dma_wait3A_136] : memref<10000x16xf32, #tpu.memory_space<vmem_shared>> -> memref<10000x16xf32, #tpu.memory_space<vmem_shared>>
      tpu.wait_indirect_dma semaphore(%arg13 : memref<!tpu.dma_semaphore, #tpu.memory_space<semaphore_mem>>) src(%arg7 : memref<80x16xf32, #tpu.memory_space<vmem>>) dst(%dma_wait3A_137 : memref<10000x16xf32, #tpu.memory_space<vmem_shared>>)
    }
    %scan3A_9 = arith.constant 20 : i32
    %dma_start3A = arith.constant 9600 : i32
    %dma_start3A_10 = tpu.memref_slice %arg6[%dma_start3A] : memref<10000xi32, #tpu.memory_space<vmem>> -> memref<80xi32, #tpu.memory_space<vmem>>
    %dma_start3A_11 = arith.constant 0 : i32
    %dma_start3A_12 = arith.constant 0 : i32
    %dma_start3A_13 = tpu.memref_slice %arg14[%dma_start3A_11, %dma_start3A_12] : memref<10000x16xf32, #tpu.memory_space<vmem_shared>> -> memref<10000x16xf32, #tpu.memory_space<vmem_shared>>
    tpu.enqueue_indirect_dma source(%arg7 : memref<80x16xf32, #tpu.memory_space<vmem>>) target(%dma_start3A_13 : memref<10000x16xf32, #tpu.memory_space<vmem_shared>>) offsets(%dma_start3A_10 : memref<80xi32, #tpu.memory_space<vmem>>) semaphore(%arg8 : memref<!tpu.dma_semaphore, #tpu.memory_space<semaphore_mem>>) {add = true}
    %dma_start3A_14 = arith.constant 9680 : i32
    %dma_start3A_15 = tpu.memref_slice %arg6[%dma_start3A_14] : memref<10000xi32, #tpu.memory_space<vmem>> -> memref<80xi32, #tpu.memory_space<vmem>>
    %dma_start3A_16 = arith.constant 0 : i32
    %dma_start3A_17 = arith.constant 0 : i32
    %dma_start3A_18 = tpu.memref_slice %arg14[%dma_start3A_16, %dma_start3A_17] : memref<10000x16xf32, #tpu.memory_space<vmem_shared>> -> memref<10000x16xf32, #tpu.memory_space<vmem_shared>>
    tpu.enqueue_indirect_dma source(%arg7 : memref<80x16xf32, #tpu.memory_space<vmem>>) target(%dma_start3A_18 : memref<10000x16xf32, #tpu.memory_space<vmem_shared>>) offsets(%dma_start3A_15 : memref<80xi32, #tpu.memory_space<vmem>>) semaphore(%arg9 : memref<!tpu.dma_semaphore, #tpu.memory_space<semaphore_mem>>) {add = true}
    %dma_start3A_19 = arith.constant 9760 : i32
    %dma_start3A_20 = tpu.memref_slice %arg6[%dma_start3A_19] : memref<10000xi32, #tpu.memory_space<vmem>> -> memref<80xi32, #tpu.memory_space<vmem>>
    %dma_start3A_21 = arith.constant 0 : i32
    %dma_start3A_22 = arith.constant 0 : i32
    %dma_start3A_23 = tpu.memref_slice %arg14[%dma_start3A_21, %dma_start3A_22] : memref<10000x16xf32, #tpu.memory_space<vmem_shared>> -> memref<10000x16xf32, #tpu.memory_space<vmem_shared>>
    tpu.enqueue_indirect_dma source(%arg7 : memref<80x16xf32, #tpu.memory_space<vmem>>) target(%dma_start3A_23 : memref<10000x16xf32, #tpu.memory_space<vmem_shared>>) offsets(%dma_start3A_20 : memref<80xi32, #tpu.memory_space<vmem>>) semaphore(%arg10 : memref<!tpu.dma_semaphore, #tpu.memory_space<semaphore_mem>>) {add = true}
    %dma_start3A_24 = arith.constant 9840 : i32
    %dma_start3A_25 = tpu.memref_slice %arg6[%dma_start3A_24] : memref<10000xi32, #tpu.memory_space<vmem>> -> memref<80xi32, #tpu.memory_space<vmem>>
    %dma_start3A_26 = arith.constant 0 : i32
    %dma_start3A_27 = arith.constant 0 : i32
    %dma_start3A_28 = tpu.memref_slice %arg14[%dma_start3A_26, %dma_start3A_27] : memref<10000x16xf32, #tpu.memory_space<vmem_shared>> -> memref<10000x16xf32, #tpu.memory_space<vmem_shared>>
    tpu.enqueue_indirect_dma source(%arg7 : memref<80x16xf32, #tpu.memory_space<vmem>>) target(%dma_start3A_28 : memref<10000x16xf32, #tpu.memory_space<vmem_shared>>) offsets(%dma_start3A_25 : memref<80xi32, #tpu.memory_space<vmem>>) semaphore(%arg11 : memref<!tpu.dma_semaphore, #tpu.memory_space<semaphore_mem>>) {add = true}
    %dma_start3A_29 = arith.constant 9920 : i32
    %dma_start3A_30 = tpu.memref_slice %arg6[%dma_start3A_29] : memref<10000xi32, #tpu.memory_space<vmem>> -> memref<80xi32, #tpu.memory_space<vmem>>
    %dma_start3A_31 = arith.constant 0 : i32
    %dma_start3A_32 = arith.constant 0 : i32
    %dma_start3A_33 = tpu.memref_slice %arg14[%dma_start3A_31, %dma_start3A_32] : memref<10000x16xf32, #tpu.memory_space<vmem_shared>> -> memref<10000x16xf32, #tpu.memory_space<vmem_shared>>
    tpu.enqueue_indirect_dma source(%arg7 : memref<80x16xf32, #tpu.memory_space<vmem>>) target(%dma_start3A_33 : memref<10000x16xf32, #tpu.memory_space<vmem_shared>>) offsets(%dma_start3A_30 : memref<80xi32, #tpu.memory_space<vmem>>) semaphore(%arg12 : memref<!tpu.dma_semaphore, #tpu.memory_space<semaphore_mem>>) {add = true}
    %dma_wait3A = arith.constant 9600 : i32
    %dma_wait3A_34 = tpu.memref_slice %arg6[%dma_wait3A] : memref<10000xi32, #tpu.memory_space<vmem>> -> memref<80xi32, #tpu.memory_space<vmem>>
    %dma_wait3A_35 = arith.constant 0 : i32
    %dma_wait3A_36 = arith.constant 0 : i32
    %dma_wait3A_37 = tpu.memref_slice %arg14[%dma_wait3A_35, %dma_wait3A_36] : memref<10000x16xf32, #tpu.memory_space<vmem_shared>> -> memref<10000x16xf32, #tpu.memory_space<vmem_shared>>
    tpu.wait_indirect_dma semaphore(%arg8 : memref<!tpu.dma_semaphore, #tpu.memory_space<semaphore_mem>>) src(%arg7 : memref<80x16xf32, #tpu.memory_space<vmem>>) dst(%dma_wait3A_37 : memref<10000x16xf32, #tpu.memory_space<vmem_shared>>)
    %dma_wait3A_38 = arith.constant 9680 : i32
    %dma_wait3A_39 = tpu.memref_slice %arg6[%dma_wait3A_38] : memref<10000xi32, #tpu.memory_space<vmem>> -> memref<80xi32, #tpu.memory_space<vmem>>
    %dma_wait3A_40 = arith.constant 0 : i32
    %dma_wait3A_41 = arith.constant 0 : i32
    %dma_wait3A_42 = tpu.memref_slice %arg14[%dma_wait3A_40, %dma_wait3A_41] : memref<10000x16xf32, #tpu.memory_space<vmem_shared>> -> memref<10000x16xf32, #tpu.memory_space<vmem_shared>>
    tpu.wait_indirect_dma semaphore(%arg9 : memref<!tpu.dma_semaphore, #tpu.memory_space<semaphore_mem>>) src(%arg7 : memref<80x16xf32, #tpu.memory_space<vmem>>) dst(%dma_wait3A_42 : memref<10000x16xf32, #tpu.memory_space<vmem_shared>>)
    %dma_wait3A_43 = arith.constant 9760 : i32
    %dma_wait3A_44 = tpu.memref_slice %arg6[%dma_wait3A_43] : memref<10000xi32, #tpu.memory_space<vmem>> -> memref<80xi32, #tpu.memory_space<vmem>>
    %dma_wait3A_45 = arith.constant 0 : i32
    %dma_wait3A_46 = arith.constant 0 : i32
    %dma_wait3A_47 = tpu.memref_slice %arg14[%dma_wait3A_45, %dma_wait3A_46] : memref<10000x16xf32, #tpu.memory_space<vmem_shared>> -> memref<10000x16xf32, #tpu.memory_space<vmem_shared>>
    tpu.wait_indirect_dma semaphore(%arg10 : memref<!tpu.dma_semaphore, #tpu.memory_space<semaphore_mem>>) src(%arg7 : memref<80x16xf32, #tpu.memory_space<vmem>>) dst(%dma_wait3A_47 : memref<10000x16xf32, #tpu.memory_space<vmem_shared>>)
    %dma_wait3A_48 = arith.constant 9840 : i32
    %dma_wait3A_49 = tpu.memref_slice %arg6[%dma_wait3A_48] : memref<10000xi32, #tpu.memory_space<vmem>> -> memref<80xi32, #tpu.memory_space<vmem>>
    %dma_wait3A_50 = arith.constant 0 : i32
    %dma_wait3A_51 = arith.constant 0 : i32
    %dma_wait3A_52 = tpu.memref_slice %arg14[%dma_wait3A_50, %dma_wait3A_51] : memref<10000x16xf32, #tpu.memory_space<vmem_shared>> -> memref<10000x16xf32, #tpu.memory_space<vmem_shared>>
    tpu.wait_indirect_dma semaphore(%arg11 : memref<!tpu.dma_semaphore, #tpu.memory_space<semaphore_mem>>) src(%arg7 : memref<80x16xf32, #tpu.memory_space<vmem>>) dst(%dma_wait3A_52 : memref<10000x16xf32, #tpu.memory_space<vmem_shared>>)
    %dma_wait3A_53 = arith.constant 9920 : i32
    %dma_wait3A_54 = tpu.memref_slice %arg6[%dma_wait3A_53] : memref<10000xi32, #tpu.memory_space<vmem>> -> memref<80xi32, #tpu.memory_space<vmem>>
    %dma_wait3A_55 = arith.constant 0 : i32
    %dma_wait3A_56 = arith.constant 0 : i32
    %dma_wait3A_57 = tpu.memref_slice %arg14[%dma_wait3A_55, %dma_wait3A_56] : memref<10000x16xf32, #tpu.memory_space<vmem_shared>> -> memref<10000x16xf32, #tpu.memory_space<vmem_shared>>
    tpu.wait_indirect_dma semaphore(%arg12 : memref<!tpu.dma_semaphore, #tpu.memory_space<semaphore_mem>>) src(%arg7 : memref<80x16xf32, #tpu.memory_space<vmem>>) dst(%dma_wait3A_57 : memref<10000x16xf32, #tpu.memory_space<vmem_shared>>)
    %barrier3A_58 = arith.constant 0 : index
    tpu.barrier barrier_id(%barrier3A_58)
    %mul3A_59 = arith.constant 625 : i32
    %mul3A_60 = arith.muli %arg1, %mul3A_59 : i32
    %mul3A_61 = arith.constant 625 : i32
    %mul3A_62 = arith.muli %arg1, %mul3A_61 : i32
    "tpu.region"() ({
      %run_scoped3A_63 = tpu.sem_alloc : memref<!tpu.dma_semaphore, #tpu.memory_space<semaphore_mem>>
      %dma_start3A_64 = arith.constant 0 : i32
      %dma_start3A_65 = tpu.memref_slice %arg5[%arg0, %mul3A_62, %dma_start3A_64] : memref<2x10000x16xf32, #tpu.memory_space<hbm>> -> memref<1x625x16xf32, #tpu.memory_space<hbm>>
      %dma_start3A_66 = tpu.memref_squeeze %dma_start3A_65 : memref<1x625x16xf32, #tpu.memory_space<hbm>> -> memref<625x16xf32, #tpu.memory_space<hbm>>
      %dma_start3A_67 = arith.constant 0 : i32
      %dma_start3A_68 = tpu.memref_slice %arg14[%mul3A_60, %dma_start3A_67] : memref<10000x16xf32, #tpu.memory_space<vmem_shared>> -> memref<625x16xf32, #tpu.memory_space<vmem_shared>>
      tpu.enqueue_dma source(%dma_start3A_68 : memref<625x16xf32, #tpu.memory_space<vmem_shared>>) target(%dma_start3A_66 : memref<625x16xf32, #tpu.memory_space<hbm>>) target_semaphore(%run_scoped3A_63 : memref<!tpu.dma_semaphore, #tpu.memory_space<semaphore_mem>>)
      %dma_wait3A_69 = arith.constant 0 : i32
      %dma_wait3A_70 = tpu.memref_slice %arg5[%arg0, %mul3A_62, %dma_wait3A_69] : memref<2x10000x16xf32, #tpu.memory_space<hbm>> -> memref<1x625x16xf32, #tpu.memory_space<hbm>>
      %dma_wait3A_71 = tpu.memref_squeeze %dma_wait3A_70 : memref<1x625x16xf32, #tpu.memory_space<hbm>> -> memref<625x16xf32, #tpu.memory_space<hbm>>
      %dma_wait3A_72 = arith.constant 0 : i32
      %dma_wait3A_73 = tpu.memref_slice %arg14[%mul3A_60, %dma_wait3A_72] : memref<10000x16xf32, #tpu.memory_space<vmem_shared>> -> memref<625x16xf32, #tpu.memory_space<vmem_shared>>
      tpu.wait_dma2 semaphore(%run_scoped3A_63 : memref<!tpu.dma_semaphore, #tpu.memory_space<semaphore_mem>>) src(%dma_wait3A_73 : memref<625x16xf32, #tpu.memory_space<vmem_shared>>) dst(%dma_wait3A_71 : memref<625x16xf32, #tpu.memory_space<hbm>>)
      tpu.yield
    }) : () -> ()
    return
  }
}

#map = affine_map<(d0, d1) -> (0, 0)>
#map1 = affine_map<(d0, d1) -> (0, 0, 0)>
module attributes {stable_mosaic.version = 14 : i64} {
  func.func @_edge_body(%arg0: i32, %arg1: i32, %arg2: memref<2x320000xi32, #tpu.memory_space<hbm>>, %arg3: memref<10000x64xf32, #tpu.memory_space<hbm>>, %arg4: memref<625x64xf32, #tpu.memory_space<hbm>>, %arg5: memref<2x10000x64xf32, #tpu.memory_space<hbm>>, %arg6: memref<10000xi32, #tpu.memory_space<vmem>>, %arg7: memref<10000xi32, #tpu.memory_space<vmem>>, %arg8: memref<80x64xf32, #tpu.memory_space<vmem>>, %arg9: memref<80x64xf32, #tpu.memory_space<vmem>>, %arg10: memref<80x64xf32, #tpu.memory_space<vmem>>, %arg11: memref<80x64xf32, #tpu.memory_space<vmem>>, %arg12: memref<80x64xf32, #tpu.memory_space<vmem>>, %arg13: memref<80x64xf32, #tpu.memory_space<vmem>>, %arg14: memref<!tpu.dma_semaphore, #tpu.memory_space<semaphore_mem>>, %arg15: memref<!tpu.dma_semaphore, #tpu.memory_space<semaphore_mem>>, %arg16: memref<!tpu.dma_semaphore, #tpu.memory_space<semaphore_mem>>, %arg17: memref<!tpu.dma_semaphore, #tpu.memory_space<semaphore_mem>>, %arg18: memref<!tpu.dma_semaphore, #tpu.memory_space<semaphore_mem>>, %arg19: memref<!tpu.dma_semaphore, #tpu.memory_space<semaphore_mem>>, %arg20: memref<10000x64xf32, #tpu.memory_space<vmem_shared>>, %arg21: memref<10000x64xf32, #tpu.memory_space<vmem_shared>>) attributes {dimension_semantics = [#tpu.dimension_semantics<core_parallel>, #tpu.dimension_semantics<subcore_parallel>], iteration_bounds = array<i64: 2, 16>, scalar_prefetch = 0 : i64, scratch_operands = 16 : i64, tpu.core_type = #tpu.core_type<sc_vector_subcore>, window_params = [{transform_indices = #map}, {transform_indices = #map}, {transform_indices = #map}, {transform_indices = #map1}]} {
    %mul3A = arith.constant 2 : i32
    %mul3A_0 = arith.muli %arg1, %mul3A : i32
    %add3A = arith.addi %mul3A_0, %arg0 : i32
    %mul3A_1 = arith.constant 625 : i32
    %mul3A_2 = arith.muli %arg1, %mul3A_1 : i32
    %mul3A_3 = arith.constant 625 : i32
    %mul3A_4 = arith.muli %arg1, %mul3A_3 : i32
    "tpu.region"() ({
      %run_scoped3A_74 = tpu.sem_alloc : memref<!tpu.dma_semaphore, #tpu.memory_space<semaphore_mem>>
      %dma_start3A_75 = arith.constant 0 : i32
      %dma_start3A_76 = tpu.memref_slice %arg20[%mul3A_4, %dma_start3A_75] : memref<10000x64xf32, #tpu.memory_space<vmem_shared>> -> memref<625x64xf32, #tpu.memory_space<vmem_shared>>
      %dma_start3A_77 = arith.constant 0 : i32
      %dma_start3A_78 = tpu.memref_slice %arg3[%mul3A_2, %dma_start3A_77] : memref<10000x64xf32, #tpu.memory_space<hbm>> -> memref<625x64xf32, #tpu.memory_space<hbm>>
      tpu.enqueue_dma source(%dma_start3A_78 : memref<625x64xf32, #tpu.memory_space<hbm>>) target(%dma_start3A_76 : memref<625x64xf32, #tpu.memory_space<vmem_shared>>) target_semaphore(%run_scoped3A_74 : memref<!tpu.dma_semaphore, #tpu.memory_space<semaphore_mem>>)
      %dma_wait3A_79 = arith.constant 0 : i32
      %dma_wait3A_80 = tpu.memref_slice %arg20[%mul3A_4, %dma_wait3A_79] : memref<10000x64xf32, #tpu.memory_space<vmem_shared>> -> memref<625x64xf32, #tpu.memory_space<vmem_shared>>
      %dma_wait3A_81 = arith.constant 0 : i32
      %dma_wait3A_82 = tpu.memref_slice %arg3[%mul3A_2, %dma_wait3A_81] : memref<10000x64xf32, #tpu.memory_space<hbm>> -> memref<625x64xf32, #tpu.memory_space<hbm>>
      tpu.wait_dma2 semaphore(%run_scoped3A_74 : memref<!tpu.dma_semaphore, #tpu.memory_space<semaphore_mem>>) src(%dma_wait3A_82 : memref<625x64xf32, #tpu.memory_space<hbm>>) dst(%dma_wait3A_80 : memref<625x64xf32, #tpu.memory_space<vmem_shared>>)
      tpu.yield
    }) : () -> ()
    %eq3A = arith.constant 0 : i32
    %eq3A_5 = arith.cmpi eq, %arg0, %eq3A : i32
    %convert_element_type3A = arith.extui %eq3A_5 : i1 to i32
    %cond3A = arith.constant 0 : i32
    %cond3A_6 = arith.cmpi ne, %convert_element_type3A, %cond3A : i32
    scf.if %cond3A_6 {
      %mul3A_74 = arith.constant 625 : i32
      %mul3A_75 = arith.muli %arg1, %mul3A_74 : i32
      %mul3A_76 = arith.constant 625 : i32
      %mul3A_77 = arith.muli %arg1, %mul3A_76 : i32
      "tpu.region"() ({
        %run_scoped3A_78 = tpu.sem_alloc : memref<!tpu.dma_semaphore, #tpu.memory_space<semaphore_mem>>
        %dma_start3A_79 = arith.constant 0 : i32
        %dma_start3A_80 = tpu.memref_slice %arg21[%mul3A_77, %dma_start3A_79] : memref<10000x64xf32, #tpu.memory_space<vmem_shared>> -> memref<625x64xf32, #tpu.memory_space<vmem_shared>>
        %dma_start3A_81 = arith.constant 0 : i32
        %dma_start3A_82 = tpu.memref_slice %arg3[%mul3A_75, %dma_start3A_81] : memref<10000x64xf32, #tpu.memory_space<hbm>> -> memref<625x64xf32, #tpu.memory_space<hbm>>
        tpu.enqueue_dma source(%dma_start3A_82 : memref<625x64xf32, #tpu.memory_space<hbm>>) target(%dma_start3A_80 : memref<625x64xf32, #tpu.memory_space<vmem_shared>>) target_semaphore(%run_scoped3A_78 : memref<!tpu.dma_semaphore, #tpu.memory_space<semaphore_mem>>)
        %dma_wait3A_83 = arith.constant 0 : i32
        %dma_wait3A_84 = tpu.memref_slice %arg21[%mul3A_77, %dma_wait3A_83] : memref<10000x64xf32, #tpu.memory_space<vmem_shared>> -> memref<625x64xf32, #tpu.memory_space<vmem_shared>>
        %dma_wait3A_85 = arith.constant 0 : i32
        %dma_wait3A_86 = tpu.memref_slice %arg3[%mul3A_75, %dma_wait3A_85] : memref<10000x64xf32, #tpu.memory_space<hbm>> -> memref<625x64xf32, #tpu.memory_space<hbm>>
        tpu.wait_dma2 semaphore(%run_scoped3A_78 : memref<!tpu.dma_semaphore, #tpu.memory_space<semaphore_mem>>) src(%dma_wait3A_86 : memref<625x64xf32, #tpu.memory_space<hbm>>) dst(%dma_wait3A_84 : memref<625x64xf32, #tpu.memory_space<vmem_shared>>)
        tpu.yield
      }) : () -> ()
    } else {
    }
    %ne3A = arith.constant 0 : i32
    %ne3A_7 = arith.cmpi ne, %arg0, %ne3A : i32
    %convert_element_type3A_8 = arith.extui %ne3A_7 : i1 to i32
    %cond3A_9 = arith.constant 0 : i32
    %cond3A_10 = arith.cmpi ne, %convert_element_type3A_8, %cond3A_9 : i32
    scf.if %cond3A_10 {
      %mul3A_74 = arith.constant 625 : i32
      %mul3A_75 = arith.muli %arg1, %mul3A_74 : i32
      "tpu.region"() ({
        %run_scoped3A_76 = tpu.sem_alloc : memref<!tpu.dma_semaphore, #tpu.memory_space<semaphore_mem>>
        %dma_start3A_77 = arith.constant 0 : i32
        %dma_start3A_78 = tpu.memref_slice %arg21[%mul3A_75, %dma_start3A_77] : memref<10000x64xf32, #tpu.memory_space<vmem_shared>> -> memref<625x64xf32, #tpu.memory_space<vmem_shared>>
        tpu.enqueue_dma source(%arg4 : memref<625x64xf32, #tpu.memory_space<hbm>>) target(%dma_start3A_78 : memref<625x64xf32, #tpu.memory_space<vmem_shared>>) target_semaphore(%run_scoped3A_76 : memref<!tpu.dma_semaphore, #tpu.memory_space<semaphore_mem>>)
        %dma_wait3A_79 = arith.constant 0 : i32
        %dma_wait3A_80 = tpu.memref_slice %arg21[%mul3A_75, %dma_wait3A_79] : memref<10000x64xf32, #tpu.memory_space<vmem_shared>> -> memref<625x64xf32, #tpu.memory_space<vmem_shared>>
        tpu.wait_dma2 semaphore(%run_scoped3A_76 : memref<!tpu.dma_semaphore, #tpu.memory_space<semaphore_mem>>) src(%arg4 : memref<625x64xf32, #tpu.memory_space<hbm>>) dst(%dma_wait3A_80 : memref<625x64xf32, #tpu.memory_space<vmem_shared>>)
        tpu.yield
      }) : () -> ()
    } else {
    }
    %mul3A_11 = arith.constant 10000 : i32
    %mul3A_12 = arith.muli %add3A, %mul3A_11 : i32
    %run_scoped3A = arith.constant 0 : i32
    "tpu.region"() ({
      %run_scoped3A_74 = tpu.sem_alloc : memref<!tpu.dma_semaphore, #tpu.memory_space<semaphore_mem>>
      %dma_start3A_75 = tpu.memref_slice %arg2[%run_scoped3A, %mul3A_12] : memref<2x320000xi32, #tpu.memory_space<hbm>> -> memref<1x10000xi32, #tpu.memory_space<hbm>>
      %dma_start3A_76 = tpu.memref_squeeze %dma_start3A_75 : memref<1x10000xi32, #tpu.memory_space<hbm>> -> memref<10000xi32, #tpu.memory_space<hbm>>
      %dma_start3A_77 = tpu.memref_slice %arg2[%run_scoped3A, %mul3A_12] : memref<2x320000xi32, #tpu.memory_space<hbm>> -> memref<1x10000xi32, #tpu.memory_space<hbm>>
      %dma_start3A_78 = tpu.memref_squeeze %dma_start3A_77 : memref<1x10000xi32, #tpu.memory_space<hbm>> -> memref<10000xi32, #tpu.memory_space<hbm>>
      tpu.enqueue_dma source(%dma_start3A_78 : memref<10000xi32, #tpu.memory_space<hbm>>) target(%arg6 : memref<10000xi32, #tpu.memory_space<vmem>>) target_semaphore(%run_scoped3A_74 : memref<!tpu.dma_semaphore, #tpu.memory_space<semaphore_mem>>)
      %dma_wait3A_79 = tpu.memref_slice %arg2[%run_scoped3A, %mul3A_12] : memref<2x320000xi32, #tpu.memory_space<hbm>> -> memref<1x10000xi32, #tpu.memory_space<hbm>>
      %dma_wait3A_80 = tpu.memref_squeeze %dma_wait3A_79 : memref<1x10000xi32, #tpu.memory_space<hbm>> -> memref<10000xi32, #tpu.memory_space<hbm>>
      %dma_wait3A_81 = tpu.memref_slice %arg2[%run_scoped3A, %mul3A_12] : memref<2x320000xi32, #tpu.memory_space<hbm>> -> memref<1x10000xi32, #tpu.memory_space<hbm>>
      %dma_wait3A_82 = tpu.memref_squeeze %dma_wait3A_81 : memref<1x10000xi32, #tpu.memory_space<hbm>> -> memref<10000xi32, #tpu.memory_space<hbm>>
      tpu.wait_dma2 semaphore(%run_scoped3A_74 : memref<!tpu.dma_semaphore, #tpu.memory_space<semaphore_mem>>) src(%dma_wait3A_82 : memref<10000xi32, #tpu.memory_space<hbm>>) dst(%arg6 : memref<10000xi32, #tpu.memory_space<vmem>>)
      tpu.yield
    }) : () -> ()
    %mul3A_13 = arith.constant 10000 : i32
    %mul3A_14 = arith.muli %add3A, %mul3A_13 : i32
    %run_scoped3A_15 = arith.constant 1 : i32
    "tpu.region"() ({
      %run_scoped3A_74 = tpu.sem_alloc : memref<!tpu.dma_semaphore, #tpu.memory_space<semaphore_mem>>
      %dma_start3A_75 = tpu.memref_slice %arg2[%run_scoped3A_15, %mul3A_14] : memref<2x320000xi32, #tpu.memory_space<hbm>> -> memref<1x10000xi32, #tpu.memory_space<hbm>>
      %dma_start3A_76 = tpu.memref_squeeze %dma_start3A_75 : memref<1x10000xi32, #tpu.memory_space<hbm>> -> memref<10000xi32, #tpu.memory_space<hbm>>
      %dma_start3A_77 = tpu.memref_slice %arg2[%run_scoped3A_15, %mul3A_14] : memref<2x320000xi32, #tpu.memory_space<hbm>> -> memref<1x10000xi32, #tpu.memory_space<hbm>>
      %dma_start3A_78 = tpu.memref_squeeze %dma_start3A_77 : memref<1x10000xi32, #tpu.memory_space<hbm>> -> memref<10000xi32, #tpu.memory_space<hbm>>
      tpu.enqueue_dma source(%dma_start3A_78 : memref<10000xi32, #tpu.memory_space<hbm>>) target(%arg7 : memref<10000xi32, #tpu.memory_space<vmem>>) target_semaphore(%run_scoped3A_74 : memref<!tpu.dma_semaphore, #tpu.memory_space<semaphore_mem>>)
      %dma_wait3A_79 = tpu.memref_slice %arg2[%run_scoped3A_15, %mul3A_14] : memref<2x320000xi32, #tpu.memory_space<hbm>> -> memref<1x10000xi32, #tpu.memory_space<hbm>>
      %dma_wait3A_80 = tpu.memref_squeeze %dma_wait3A_79 : memref<1x10000xi32, #tpu.memory_space<hbm>> -> memref<10000xi32, #tpu.memory_space<hbm>>
      %dma_wait3A_81 = tpu.memref_slice %arg2[%run_scoped3A_15, %mul3A_14] : memref<2x320000xi32, #tpu.memory_space<hbm>> -> memref<1x10000xi32, #tpu.memory_space<hbm>>
      %dma_wait3A_82 = tpu.memref_squeeze %dma_wait3A_81 : memref<1x10000xi32, #tpu.memory_space<hbm>> -> memref<10000xi32, #tpu.memory_space<hbm>>
      tpu.wait_dma2 semaphore(%run_scoped3A_74 : memref<!tpu.dma_semaphore, #tpu.memory_space<semaphore_mem>>) src(%dma_wait3A_82 : memref<10000xi32, #tpu.memory_space<hbm>>) dst(%arg7 : memref<10000xi32, #tpu.memory_space<vmem>>)
      tpu.yield
    }) : () -> ()
    %barrier3A = arith.constant 0 : index
    tpu.barrier barrier_id(%barrier3A)
    %scan3A = arith.constant 0 : i32
    %scan3A_16 = arith.constant 0 : i32
    %scan3A_17 = arith.constant 20 : i32
    %scan3A_18 = arith.addi %scan3A_16, %scan3A_17 : i32
    %scan3A_19 = arith.constant 1 : i32
    scf.for %scan3A_74 = %scan3A_16 to %scan3A_18 step %scan3A_19  : i32 {
      %mul3A_75 = arith.constant 6 : i32
      %mul3A_76 = arith.muli %scan3A_74, %mul3A_75 : i32
      %add3A_77 = arith.constant 0 : i32
      %add3A_78 = arith.addi %mul3A_76, %add3A_77 : i32
      %mul3A_79 = arith.constant 80 : i32
      %mul3A_80 = arith.muli %add3A_78, %mul3A_79 : i32
      %dma_start3A_81 = tpu.memref_slice %arg6[%mul3A_80] : memref<10000xi32, #tpu.memory_space<vmem>> -> memref<80xi32, #tpu.memory_space<vmem>>
      %dma_start3A_82 = arith.constant 0 : i32
      %dma_start3A_83 = arith.constant 0 : i32
      %dma_start3A_84 = tpu.memref_slice %arg20[%dma_start3A_82, %dma_start3A_83] : memref<10000x64xf32, #tpu.memory_space<vmem_shared>> -> memref<10000x64xf32, #tpu.memory_space<vmem_shared>>
      tpu.enqueue_indirect_dma source(%dma_start3A_84 : memref<10000x64xf32, #tpu.memory_space<vmem_shared>>) target(%arg8 : memref<80x64xf32, #tpu.memory_space<vmem>>) offsets(%dma_start3A_81 : memref<80xi32, #tpu.memory_space<vmem>>) semaphore(%arg14 : memref<!tpu.dma_semaphore, #tpu.memory_space<semaphore_mem>>)
      %add3A_85 = arith.constant 1 : i32
      %add3A_86 = arith.addi %mul3A_76, %add3A_85 : i32
      %mul3A_87 = arith.constant 80 : i32
      %mul3A_88 = arith.muli %add3A_86, %mul3A_87 : i32
      %dma_start3A_89 = tpu.memref_slice %arg6[%mul3A_88] : memref<10000xi32, #tpu.memory_space<vmem>> -> memref<80xi32, #tpu.memory_space<vmem>>
      %dma_start3A_90 = arith.constant 0 : i32
      %dma_start3A_91 = arith.constant 0 : i32
      %dma_start3A_92 = tpu.memref_slice %arg20[%dma_start3A_90, %dma_start3A_91] : memref<10000x64xf32, #tpu.memory_space<vmem_shared>> -> memref<10000x64xf32, #tpu.memory_space<vmem_shared>>
      tpu.enqueue_indirect_dma source(%dma_start3A_92 : memref<10000x64xf32, #tpu.memory_space<vmem_shared>>) target(%arg9 : memref<80x64xf32, #tpu.memory_space<vmem>>) offsets(%dma_start3A_89 : memref<80xi32, #tpu.memory_space<vmem>>) semaphore(%arg15 : memref<!tpu.dma_semaphore, #tpu.memory_space<semaphore_mem>>)
      %add3A_93 = arith.constant 2 : i32
      %add3A_94 = arith.addi %mul3A_76, %add3A_93 : i32
      %mul3A_95 = arith.constant 80 : i32
      %mul3A_96 = arith.muli %add3A_94, %mul3A_95 : i32
      %dma_start3A_97 = tpu.memref_slice %arg6[%mul3A_96] : memref<10000xi32, #tpu.memory_space<vmem>> -> memref<80xi32, #tpu.memory_space<vmem>>
      %dma_start3A_98 = arith.constant 0 : i32
      %dma_start3A_99 = arith.constant 0 : i32
      %dma_start3A_100 = tpu.memref_slice %arg20[%dma_start3A_98, %dma_start3A_99] : memref<10000x64xf32, #tpu.memory_space<vmem_shared>> -> memref<10000x64xf32, #tpu.memory_space<vmem_shared>>
      tpu.enqueue_indirect_dma source(%dma_start3A_100 : memref<10000x64xf32, #tpu.memory_space<vmem_shared>>) target(%arg10 : memref<80x64xf32, #tpu.memory_space<vmem>>) offsets(%dma_start3A_97 : memref<80xi32, #tpu.memory_space<vmem>>) semaphore(%arg16 : memref<!tpu.dma_semaphore, #tpu.memory_space<semaphore_mem>>)
      %add3A_101 = arith.constant 3 : i32
      %add3A_102 = arith.addi %mul3A_76, %add3A_101 : i32
      %mul3A_103 = arith.constant 80 : i32
      %mul3A_104 = arith.muli %add3A_102, %mul3A_103 : i32
      %dma_start3A_105 = tpu.memref_slice %arg6[%mul3A_104] : memref<10000xi32, #tpu.memory_space<vmem>> -> memref<80xi32, #tpu.memory_space<vmem>>
      %dma_start3A_106 = arith.constant 0 : i32
      %dma_start3A_107 = arith.constant 0 : i32
      %dma_start3A_108 = tpu.memref_slice %arg20[%dma_start3A_106, %dma_start3A_107] : memref<10000x64xf32, #tpu.memory_space<vmem_shared>> -> memref<10000x64xf32, #tpu.memory_space<vmem_shared>>
      tpu.enqueue_indirect_dma source(%dma_start3A_108 : memref<10000x64xf32, #tpu.memory_space<vmem_shared>>) target(%arg11 : memref<80x64xf32, #tpu.memory_space<vmem>>) offsets(%dma_start3A_105 : memref<80xi32, #tpu.memory_space<vmem>>) semaphore(%arg17 : memref<!tpu.dma_semaphore, #tpu.memory_space<semaphore_mem>>)
      %add3A_109 = arith.constant 4 : i32
      %add3A_110 = arith.addi %mul3A_76, %add3A_109 : i32
      %mul3A_111 = arith.constant 80 : i32
      %mul3A_112 = arith.muli %add3A_110, %mul3A_111 : i32
      %dma_start3A_113 = tpu.memref_slice %arg6[%mul3A_112] : memref<10000xi32, #tpu.memory_space<vmem>> -> memref<80xi32, #tpu.memory_space<vmem>>
      %dma_start3A_114 = arith.constant 0 : i32
      %dma_start3A_115 = arith.constant 0 : i32
      %dma_start3A_116 = tpu.memref_slice %arg20[%dma_start3A_114, %dma_start3A_115] : memref<10000x64xf32, #tpu.memory_space<vmem_shared>> -> memref<10000x64xf32, #tpu.memory_space<vmem_shared>>
      tpu.enqueue_indirect_dma source(%dma_start3A_116 : memref<10000x64xf32, #tpu.memory_space<vmem_shared>>) target(%arg12 : memref<80x64xf32, #tpu.memory_space<vmem>>) offsets(%dma_start3A_113 : memref<80xi32, #tpu.memory_space<vmem>>) semaphore(%arg18 : memref<!tpu.dma_semaphore, #tpu.memory_space<semaphore_mem>>)
      %add3A_117 = arith.constant 5 : i32
      %add3A_118 = arith.addi %mul3A_76, %add3A_117 : i32
      %mul3A_119 = arith.constant 80 : i32
      %mul3A_120 = arith.muli %add3A_118, %mul3A_119 : i32
      %dma_start3A_121 = tpu.memref_slice %arg6[%mul3A_120] : memref<10000xi32, #tpu.memory_space<vmem>> -> memref<80xi32, #tpu.memory_space<vmem>>
      %dma_start3A_122 = arith.constant 0 : i32
      %dma_start3A_123 = arith.constant 0 : i32
      %dma_start3A_124 = tpu.memref_slice %arg20[%dma_start3A_122, %dma_start3A_123] : memref<10000x64xf32, #tpu.memory_space<vmem_shared>> -> memref<10000x64xf32, #tpu.memory_space<vmem_shared>>
      tpu.enqueue_indirect_dma source(%dma_start3A_124 : memref<10000x64xf32, #tpu.memory_space<vmem_shared>>) target(%arg13 : memref<80x64xf32, #tpu.memory_space<vmem>>) offsets(%dma_start3A_121 : memref<80xi32, #tpu.memory_space<vmem>>) semaphore(%arg19 : memref<!tpu.dma_semaphore, #tpu.memory_space<semaphore_mem>>)
      %dma_wait3A_125 = tpu.memref_slice %arg6[%mul3A_80] : memref<10000xi32, #tpu.memory_space<vmem>> -> memref<80xi32, #tpu.memory_space<vmem>>
      %dma_wait3A_126 = arith.constant 0 : i32
      %dma_wait3A_127 = arith.constant 0 : i32
      %dma_wait3A_128 = tpu.memref_slice %arg20[%dma_wait3A_126, %dma_wait3A_127] : memref<10000x64xf32, #tpu.memory_space<vmem_shared>> -> memref<10000x64xf32, #tpu.memory_space<vmem_shared>>
      tpu.wait_indirect_dma semaphore(%arg14 : memref<!tpu.dma_semaphore, #tpu.memory_space<semaphore_mem>>) src(%dma_wait3A_128 : memref<10000x64xf32, #tpu.memory_space<vmem_shared>>) dst(%arg8 : memref<80x64xf32, #tpu.memory_space<vmem>>)
      %add3A_129 = arith.constant 0 : i32
      %add3A_130 = arith.addi %mul3A_76, %add3A_129 : i32
      %mul3A_131 = arith.constant 80 : i32
      %mul3A_132 = arith.muli %add3A_130, %mul3A_131 : i32
      "tpu.region"() ({
        %run_scoped3A_173 = tpu.sem_alloc : memref<!tpu.dma_semaphore, #tpu.memory_space<semaphore_mem>>
        %dma_start3A_174 = tpu.memref_slice %arg7[%mul3A_132] : memref<10000xi32, #tpu.memory_space<vmem>> -> memref<80xi32, #tpu.memory_space<vmem>>
        %dma_start3A_175 = arith.constant 0 : i32
        %dma_start3A_176 = arith.constant 0 : i32
        %dma_start3A_177 = tpu.memref_slice %arg21[%dma_start3A_175, %dma_start3A_176] : memref<10000x64xf32, #tpu.memory_space<vmem_shared>> -> memref<10000x64xf32, #tpu.memory_space<vmem_shared>>
        tpu.enqueue_indirect_dma source(%arg8 : memref<80x64xf32, #tpu.memory_space<vmem>>) target(%dma_start3A_177 : memref<10000x64xf32, #tpu.memory_space<vmem_shared>>) offsets(%dma_start3A_174 : memref<80xi32, #tpu.memory_space<vmem>>) semaphore(%run_scoped3A_173 : memref<!tpu.dma_semaphore, #tpu.memory_space<semaphore_mem>>) {add = true}
        %dma_wait3A_178 = tpu.memref_slice %arg7[%mul3A_132] : memref<10000xi32, #tpu.memory_space<vmem>> -> memref<80xi32, #tpu.memory_space<vmem>>
        %dma_wait3A_179 = arith.constant 0 : i32
        %dma_wait3A_180 = arith.constant 0 : i32
        %dma_wait3A_181 = tpu.memref_slice %arg21[%dma_wait3A_179, %dma_wait3A_180] : memref<10000x64xf32, #tpu.memory_space<vmem_shared>> -> memref<10000x64xf32, #tpu.memory_space<vmem_shared>>
        tpu.wait_indirect_dma semaphore(%run_scoped3A_173 : memref<!tpu.dma_semaphore, #tpu.memory_space<semaphore_mem>>) src(%arg8 : memref<80x64xf32, #tpu.memory_space<vmem>>) dst(%dma_wait3A_181 : memref<10000x64xf32, #tpu.memory_space<vmem_shared>>)
        tpu.yield
      }) : () -> ()
      %dma_wait3A_133 = tpu.memref_slice %arg6[%mul3A_88] : memref<10000xi32, #tpu.memory_space<vmem>> -> memref<80xi32, #tpu.memory_space<vmem>>
      %dma_wait3A_134 = arith.constant 0 : i32
      %dma_wait3A_135 = arith.constant 0 : i32
      %dma_wait3A_136 = tpu.memref_slice %arg20[%dma_wait3A_134, %dma_wait3A_135] : memref<10000x64xf32, #tpu.memory_space<vmem_shared>> -> memref<10000x64xf32, #tpu.memory_space<vmem_shared>>
      tpu.wait_indirect_dma semaphore(%arg15 : memref<!tpu.dma_semaphore, #tpu.memory_space<semaphore_mem>>) src(%dma_wait3A_136 : memref<10000x64xf32, #tpu.memory_space<vmem_shared>>) dst(%arg9 : memref<80x64xf32, #tpu.memory_space<vmem>>)
      %add3A_137 = arith.constant 1 : i32
      %add3A_138 = arith.addi %mul3A_76, %add3A_137 : i32
      %mul3A_139 = arith.constant 80 : i32
      %mul3A_140 = arith.muli %add3A_138, %mul3A_139 : i32
      "tpu.region"() ({
        %run_scoped3A_173 = tpu.sem_alloc : memref<!tpu.dma_semaphore, #tpu.memory_space<semaphore_mem>>
        %dma_start3A_174 = tpu.memref_slice %arg7[%mul3A_140] : memref<10000xi32, #tpu.memory_space<vmem>> -> memref<80xi32, #tpu.memory_space<vmem>>
        %dma_start3A_175 = arith.constant 0 : i32
        %dma_start3A_176 = arith.constant 0 : i32
        %dma_start3A_177 = tpu.memref_slice %arg21[%dma_start3A_175, %dma_start3A_176] : memref<10000x64xf32, #tpu.memory_space<vmem_shared>> -> memref<10000x64xf32, #tpu.memory_space<vmem_shared>>
        tpu.enqueue_indirect_dma source(%arg9 : memref<80x64xf32, #tpu.memory_space<vmem>>) target(%dma_start3A_177 : memref<10000x64xf32, #tpu.memory_space<vmem_shared>>) offsets(%dma_start3A_174 : memref<80xi32, #tpu.memory_space<vmem>>) semaphore(%run_scoped3A_173 : memref<!tpu.dma_semaphore, #tpu.memory_space<semaphore_mem>>) {add = true}
        %dma_wait3A_178 = tpu.memref_slice %arg7[%mul3A_140] : memref<10000xi32, #tpu.memory_space<vmem>> -> memref<80xi32, #tpu.memory_space<vmem>>
        %dma_wait3A_179 = arith.constant 0 : i32
        %dma_wait3A_180 = arith.constant 0 : i32
        %dma_wait3A_181 = tpu.memref_slice %arg21[%dma_wait3A_179, %dma_wait3A_180] : memref<10000x64xf32, #tpu.memory_space<vmem_shared>> -> memref<10000x64xf32, #tpu.memory_space<vmem_shared>>
        tpu.wait_indirect_dma semaphore(%run_scoped3A_173 : memref<!tpu.dma_semaphore, #tpu.memory_space<semaphore_mem>>) src(%arg9 : memref<80x64xf32, #tpu.memory_space<vmem>>) dst(%dma_wait3A_181 : memref<10000x64xf32, #tpu.memory_space<vmem_shared>>)
        tpu.yield
      }) : () -> ()
      %dma_wait3A_141 = tpu.memref_slice %arg6[%mul3A_96] : memref<10000xi32, #tpu.memory_space<vmem>> -> memref<80xi32, #tpu.memory_space<vmem>>
      %dma_wait3A_142 = arith.constant 0 : i32
      %dma_wait3A_143 = arith.constant 0 : i32
      %dma_wait3A_144 = tpu.memref_slice %arg20[%dma_wait3A_142, %dma_wait3A_143] : memref<10000x64xf32, #tpu.memory_space<vmem_shared>> -> memref<10000x64xf32, #tpu.memory_space<vmem_shared>>
      tpu.wait_indirect_dma semaphore(%arg16 : memref<!tpu.dma_semaphore, #tpu.memory_space<semaphore_mem>>) src(%dma_wait3A_144 : memref<10000x64xf32, #tpu.memory_space<vmem_shared>>) dst(%arg10 : memref<80x64xf32, #tpu.memory_space<vmem>>)
      %add3A_145 = arith.constant 2 : i32
      %add3A_146 = arith.addi %mul3A_76, %add3A_145 : i32
      %mul3A_147 = arith.constant 80 : i32
      %mul3A_148 = arith.muli %add3A_146, %mul3A_147 : i32
      "tpu.region"() ({
        %run_scoped3A_173 = tpu.sem_alloc : memref<!tpu.dma_semaphore, #tpu.memory_space<semaphore_mem>>
        %dma_start3A_174 = tpu.memref_slice %arg7[%mul3A_148] : memref<10000xi32, #tpu.memory_space<vmem>> -> memref<80xi32, #tpu.memory_space<vmem>>
        %dma_start3A_175 = arith.constant 0 : i32
        %dma_start3A_176 = arith.constant 0 : i32
        %dma_start3A_177 = tpu.memref_slice %arg21[%dma_start3A_175, %dma_start3A_176] : memref<10000x64xf32, #tpu.memory_space<vmem_shared>> -> memref<10000x64xf32, #tpu.memory_space<vmem_shared>>
        tpu.enqueue_indirect_dma source(%arg10 : memref<80x64xf32, #tpu.memory_space<vmem>>) target(%dma_start3A_177 : memref<10000x64xf32, #tpu.memory_space<vmem_shared>>) offsets(%dma_start3A_174 : memref<80xi32, #tpu.memory_space<vmem>>) semaphore(%run_scoped3A_173 : memref<!tpu.dma_semaphore, #tpu.memory_space<semaphore_mem>>) {add = true}
        %dma_wait3A_178 = tpu.memref_slice %arg7[%mul3A_148] : memref<10000xi32, #tpu.memory_space<vmem>> -> memref<80xi32, #tpu.memory_space<vmem>>
        %dma_wait3A_179 = arith.constant 0 : i32
        %dma_wait3A_180 = arith.constant 0 : i32
        %dma_wait3A_181 = tpu.memref_slice %arg21[%dma_wait3A_179, %dma_wait3A_180] : memref<10000x64xf32, #tpu.memory_space<vmem_shared>> -> memref<10000x64xf32, #tpu.memory_space<vmem_shared>>
        tpu.wait_indirect_dma semaphore(%run_scoped3A_173 : memref<!tpu.dma_semaphore, #tpu.memory_space<semaphore_mem>>) src(%arg10 : memref<80x64xf32, #tpu.memory_space<vmem>>) dst(%dma_wait3A_181 : memref<10000x64xf32, #tpu.memory_space<vmem_shared>>)
        tpu.yield
      }) : () -> ()
      %dma_wait3A_149 = tpu.memref_slice %arg6[%mul3A_104] : memref<10000xi32, #tpu.memory_space<vmem>> -> memref<80xi32, #tpu.memory_space<vmem>>
      %dma_wait3A_150 = arith.constant 0 : i32
      %dma_wait3A_151 = arith.constant 0 : i32
      %dma_wait3A_152 = tpu.memref_slice %arg20[%dma_wait3A_150, %dma_wait3A_151] : memref<10000x64xf32, #tpu.memory_space<vmem_shared>> -> memref<10000x64xf32, #tpu.memory_space<vmem_shared>>
      tpu.wait_indirect_dma semaphore(%arg17 : memref<!tpu.dma_semaphore, #tpu.memory_space<semaphore_mem>>) src(%dma_wait3A_152 : memref<10000x64xf32, #tpu.memory_space<vmem_shared>>) dst(%arg11 : memref<80x64xf32, #tpu.memory_space<vmem>>)
      %add3A_153 = arith.constant 3 : i32
      %add3A_154 = arith.addi %mul3A_76, %add3A_153 : i32
      %mul3A_155 = arith.constant 80 : i32
      %mul3A_156 = arith.muli %add3A_154, %mul3A_155 : i32
      "tpu.region"() ({
        %run_scoped3A_173 = tpu.sem_alloc : memref<!tpu.dma_semaphore, #tpu.memory_space<semaphore_mem>>
        %dma_start3A_174 = tpu.memref_slice %arg7[%mul3A_156] : memref<10000xi32, #tpu.memory_space<vmem>> -> memref<80xi32, #tpu.memory_space<vmem>>
        %dma_start3A_175 = arith.constant 0 : i32
        %dma_start3A_176 = arith.constant 0 : i32
        %dma_start3A_177 = tpu.memref_slice %arg21[%dma_start3A_175, %dma_start3A_176] : memref<10000x64xf32, #tpu.memory_space<vmem_shared>> -> memref<10000x64xf32, #tpu.memory_space<vmem_shared>>
        tpu.enqueue_indirect_dma source(%arg11 : memref<80x64xf32, #tpu.memory_space<vmem>>) target(%dma_start3A_177 : memref<10000x64xf32, #tpu.memory_space<vmem_shared>>) offsets(%dma_start3A_174 : memref<80xi32, #tpu.memory_space<vmem>>) semaphore(%run_scoped3A_173 : memref<!tpu.dma_semaphore, #tpu.memory_space<semaphore_mem>>) {add = true}
        %dma_wait3A_178 = tpu.memref_slice %arg7[%mul3A_156] : memref<10000xi32, #tpu.memory_space<vmem>> -> memref<80xi32, #tpu.memory_space<vmem>>
        %dma_wait3A_179 = arith.constant 0 : i32
        %dma_wait3A_180 = arith.constant 0 : i32
        %dma_wait3A_181 = tpu.memref_slice %arg21[%dma_wait3A_179, %dma_wait3A_180] : memref<10000x64xf32, #tpu.memory_space<vmem_shared>> -> memref<10000x64xf32, #tpu.memory_space<vmem_shared>>
        tpu.wait_indirect_dma semaphore(%run_scoped3A_173 : memref<!tpu.dma_semaphore, #tpu.memory_space<semaphore_mem>>) src(%arg11 : memref<80x64xf32, #tpu.memory_space<vmem>>) dst(%dma_wait3A_181 : memref<10000x64xf32, #tpu.memory_space<vmem_shared>>)
        tpu.yield
      }) : () -> ()
      %dma_wait3A_157 = tpu.memref_slice %arg6[%mul3A_112] : memref<10000xi32, #tpu.memory_space<vmem>> -> memref<80xi32, #tpu.memory_space<vmem>>
      %dma_wait3A_158 = arith.constant 0 : i32
      %dma_wait3A_159 = arith.constant 0 : i32
      %dma_wait3A_160 = tpu.memref_slice %arg20[%dma_wait3A_158, %dma_wait3A_159] : memref<10000x64xf32, #tpu.memory_space<vmem_shared>> -> memref<10000x64xf32, #tpu.memory_space<vmem_shared>>
      tpu.wait_indirect_dma semaphore(%arg18 : memref<!tpu.dma_semaphore, #tpu.memory_space<semaphore_mem>>) src(%dma_wait3A_160 : memref<10000x64xf32, #tpu.memory_space<vmem_shared>>) dst(%arg12 : memref<80x64xf32, #tpu.memory_space<vmem>>)
      %add3A_161 = arith.constant 4 : i32
      %add3A_162 = arith.addi %mul3A_76, %add3A_161 : i32
      %mul3A_163 = arith.constant 80 : i32
      %mul3A_164 = arith.muli %add3A_162, %mul3A_163 : i32
      "tpu.region"() ({
        %run_scoped3A_173 = tpu.sem_alloc : memref<!tpu.dma_semaphore, #tpu.memory_space<semaphore_mem>>
        %dma_start3A_174 = tpu.memref_slice %arg7[%mul3A_164] : memref<10000xi32, #tpu.memory_space<vmem>> -> memref<80xi32, #tpu.memory_space<vmem>>
        %dma_start3A_175 = arith.constant 0 : i32
        %dma_start3A_176 = arith.constant 0 : i32
        %dma_start3A_177 = tpu.memref_slice %arg21[%dma_start3A_175, %dma_start3A_176] : memref<10000x64xf32, #tpu.memory_space<vmem_shared>> -> memref<10000x64xf32, #tpu.memory_space<vmem_shared>>
        tpu.enqueue_indirect_dma source(%arg12 : memref<80x64xf32, #tpu.memory_space<vmem>>) target(%dma_start3A_177 : memref<10000x64xf32, #tpu.memory_space<vmem_shared>>) offsets(%dma_start3A_174 : memref<80xi32, #tpu.memory_space<vmem>>) semaphore(%run_scoped3A_173 : memref<!tpu.dma_semaphore, #tpu.memory_space<semaphore_mem>>) {add = true}
        %dma_wait3A_178 = tpu.memref_slice %arg7[%mul3A_164] : memref<10000xi32, #tpu.memory_space<vmem>> -> memref<80xi32, #tpu.memory_space<vmem>>
        %dma_wait3A_179 = arith.constant 0 : i32
        %dma_wait3A_180 = arith.constant 0 : i32
        %dma_wait3A_181 = tpu.memref_slice %arg21[%dma_wait3A_179, %dma_wait3A_180] : memref<10000x64xf32, #tpu.memory_space<vmem_shared>> -> memref<10000x64xf32, #tpu.memory_space<vmem_shared>>
        tpu.wait_indirect_dma semaphore(%run_scoped3A_173 : memref<!tpu.dma_semaphore, #tpu.memory_space<semaphore_mem>>) src(%arg12 : memref<80x64xf32, #tpu.memory_space<vmem>>) dst(%dma_wait3A_181 : memref<10000x64xf32, #tpu.memory_space<vmem_shared>>)
        tpu.yield
      }) : () -> ()
      %dma_wait3A_165 = tpu.memref_slice %arg6[%mul3A_120] : memref<10000xi32, #tpu.memory_space<vmem>> -> memref<80xi32, #tpu.memory_space<vmem>>
      %dma_wait3A_166 = arith.constant 0 : i32
      %dma_wait3A_167 = arith.constant 0 : i32
      %dma_wait3A_168 = tpu.memref_slice %arg20[%dma_wait3A_166, %dma_wait3A_167] : memref<10000x64xf32, #tpu.memory_space<vmem_shared>> -> memref<10000x64xf32, #tpu.memory_space<vmem_shared>>
      tpu.wait_indirect_dma semaphore(%arg19 : memref<!tpu.dma_semaphore, #tpu.memory_space<semaphore_mem>>) src(%dma_wait3A_168 : memref<10000x64xf32, #tpu.memory_space<vmem_shared>>) dst(%arg13 : memref<80x64xf32, #tpu.memory_space<vmem>>)
      %add3A_169 = arith.constant 5 : i32
      %add3A_170 = arith.addi %mul3A_76, %add3A_169 : i32
      %mul3A_171 = arith.constant 80 : i32
      %mul3A_172 = arith.muli %add3A_170, %mul3A_171 : i32
      "tpu.region"() ({
        %run_scoped3A_173 = tpu.sem_alloc : memref<!tpu.dma_semaphore, #tpu.memory_space<semaphore_mem>>
        %dma_start3A_174 = tpu.memref_slice %arg7[%mul3A_172] : memref<10000xi32, #tpu.memory_space<vmem>> -> memref<80xi32, #tpu.memory_space<vmem>>
        %dma_start3A_175 = arith.constant 0 : i32
        %dma_start3A_176 = arith.constant 0 : i32
        %dma_start3A_177 = tpu.memref_slice %arg21[%dma_start3A_175, %dma_start3A_176] : memref<10000x64xf32, #tpu.memory_space<vmem_shared>> -> memref<10000x64xf32, #tpu.memory_space<vmem_shared>>
        tpu.enqueue_indirect_dma source(%arg13 : memref<80x64xf32, #tpu.memory_space<vmem>>) target(%dma_start3A_177 : memref<10000x64xf32, #tpu.memory_space<vmem_shared>>) offsets(%dma_start3A_174 : memref<80xi32, #tpu.memory_space<vmem>>) semaphore(%run_scoped3A_173 : memref<!tpu.dma_semaphore, #tpu.memory_space<semaphore_mem>>) {add = true}
        %dma_wait3A_178 = tpu.memref_slice %arg7[%mul3A_172] : memref<10000xi32, #tpu.memory_space<vmem>> -> memref<80xi32, #tpu.memory_space<vmem>>
        %dma_wait3A_179 = arith.constant 0 : i32
        %dma_wait3A_180 = arith.constant 0 : i32
        %dma_wait3A_181 = tpu.memref_slice %arg21[%dma_wait3A_179, %dma_wait3A_180] : memref<10000x64xf32, #tpu.memory_space<vmem_shared>> -> memref<10000x64xf32, #tpu.memory_space<vmem_shared>>
        tpu.wait_indirect_dma semaphore(%run_scoped3A_173 : memref<!tpu.dma_semaphore, #tpu.memory_space<semaphore_mem>>) src(%arg13 : memref<80x64xf32, #tpu.memory_space<vmem>>) dst(%dma_wait3A_181 : memref<10000x64xf32, #tpu.memory_space<vmem_shared>>)
        tpu.yield
      }) : () -> ()
    }
    %scan3A_20 = arith.constant 20 : i32
    %dma_start3A = arith.constant 9600 : i32
    %dma_start3A_21 = tpu.memref_slice %arg6[%dma_start3A] : memref<10000xi32, #tpu.memory_space<vmem>> -> memref<80xi32, #tpu.memory_space<vmem>>
    %dma_start3A_22 = arith.constant 0 : i32
    %dma_start3A_23 = arith.constant 0 : i32
    %dma_start3A_24 = tpu.memref_slice %arg20[%dma_start3A_22, %dma_start3A_23] : memref<10000x64xf32, #tpu.memory_space<vmem_shared>> -> memref<10000x64xf32, #tpu.memory_space<vmem_shared>>
    tpu.enqueue_indirect_dma source(%dma_start3A_24 : memref<10000x64xf32, #tpu.memory_space<vmem_shared>>) target(%arg8 : memref<80x64xf32, #tpu.memory_space<vmem>>) offsets(%dma_start3A_21 : memref<80xi32, #tpu.memory_space<vmem>>) semaphore(%arg14 : memref<!tpu.dma_semaphore, #tpu.memory_space<semaphore_mem>>)
    %dma_start3A_25 = arith.constant 9680 : i32
    %dma_start3A_26 = tpu.memref_slice %arg6[%dma_start3A_25] : memref<10000xi32, #tpu.memory_space<vmem>> -> memref<80xi32, #tpu.memory_space<vmem>>
    %dma_start3A_27 = arith.constant 0 : i32
    %dma_start3A_28 = arith.constant 0 : i32
    %dma_start3A_29 = tpu.memref_slice %arg20[%dma_start3A_27, %dma_start3A_28] : memref<10000x64xf32, #tpu.memory_space<vmem_shared>> -> memref<10000x64xf32, #tpu.memory_space<vmem_shared>>
    tpu.enqueue_indirect_dma source(%dma_start3A_29 : memref<10000x64xf32, #tpu.memory_space<vmem_shared>>) target(%arg9 : memref<80x64xf32, #tpu.memory_space<vmem>>) offsets(%dma_start3A_26 : memref<80xi32, #tpu.memory_space<vmem>>) semaphore(%arg15 : memref<!tpu.dma_semaphore, #tpu.memory_space<semaphore_mem>>)
    %dma_start3A_30 = arith.constant 9760 : i32
    %dma_start3A_31 = tpu.memref_slice %arg6[%dma_start3A_30] : memref<10000xi32, #tpu.memory_space<vmem>> -> memref<80xi32, #tpu.memory_space<vmem>>
    %dma_start3A_32 = arith.constant 0 : i32
    %dma_start3A_33 = arith.constant 0 : i32
    %dma_start3A_34 = tpu.memref_slice %arg20[%dma_start3A_32, %dma_start3A_33] : memref<10000x64xf32, #tpu.memory_space<vmem_shared>> -> memref<10000x64xf32, #tpu.memory_space<vmem_shared>>
    tpu.enqueue_indirect_dma source(%dma_start3A_34 : memref<10000x64xf32, #tpu.memory_space<vmem_shared>>) target(%arg10 : memref<80x64xf32, #tpu.memory_space<vmem>>) offsets(%dma_start3A_31 : memref<80xi32, #tpu.memory_space<vmem>>) semaphore(%arg16 : memref<!tpu.dma_semaphore, #tpu.memory_space<semaphore_mem>>)
    %dma_start3A_35 = arith.constant 9840 : i32
    %dma_start3A_36 = tpu.memref_slice %arg6[%dma_start3A_35] : memref<10000xi32, #tpu.memory_space<vmem>> -> memref<80xi32, #tpu.memory_space<vmem>>
    %dma_start3A_37 = arith.constant 0 : i32
    %dma_start3A_38 = arith.constant 0 : i32
    %dma_start3A_39 = tpu.memref_slice %arg20[%dma_start3A_37, %dma_start3A_38] : memref<10000x64xf32, #tpu.memory_space<vmem_shared>> -> memref<10000x64xf32, #tpu.memory_space<vmem_shared>>
    tpu.enqueue_indirect_dma source(%dma_start3A_39 : memref<10000x64xf32, #tpu.memory_space<vmem_shared>>) target(%arg11 : memref<80x64xf32, #tpu.memory_space<vmem>>) offsets(%dma_start3A_36 : memref<80xi32, #tpu.memory_space<vmem>>) semaphore(%arg17 : memref<!tpu.dma_semaphore, #tpu.memory_space<semaphore_mem>>)
    %dma_start3A_40 = arith.constant 9920 : i32
    %dma_start3A_41 = tpu.memref_slice %arg6[%dma_start3A_40] : memref<10000xi32, #tpu.memory_space<vmem>> -> memref<80xi32, #tpu.memory_space<vmem>>
    %dma_start3A_42 = arith.constant 0 : i32
    %dma_start3A_43 = arith.constant 0 : i32
    %dma_start3A_44 = tpu.memref_slice %arg20[%dma_start3A_42, %dma_start3A_43] : memref<10000x64xf32, #tpu.memory_space<vmem_shared>> -> memref<10000x64xf32, #tpu.memory_space<vmem_shared>>
    tpu.enqueue_indirect_dma source(%dma_start3A_44 : memref<10000x64xf32, #tpu.memory_space<vmem_shared>>) target(%arg12 : memref<80x64xf32, #tpu.memory_space<vmem>>) offsets(%dma_start3A_41 : memref<80xi32, #tpu.memory_space<vmem>>) semaphore(%arg18 : memref<!tpu.dma_semaphore, #tpu.memory_space<semaphore_mem>>)
    %dma_wait3A = arith.constant 9600 : i32
    %dma_wait3A_45 = tpu.memref_slice %arg6[%dma_wait3A] : memref<10000xi32, #tpu.memory_space<vmem>> -> memref<80xi32, #tpu.memory_space<vmem>>
    %dma_wait3A_46 = arith.constant 0 : i32
    %dma_wait3A_47 = arith.constant 0 : i32
    %dma_wait3A_48 = tpu.memref_slice %arg20[%dma_wait3A_46, %dma_wait3A_47] : memref<10000x64xf32, #tpu.memory_space<vmem_shared>> -> memref<10000x64xf32, #tpu.memory_space<vmem_shared>>
    tpu.wait_indirect_dma semaphore(%arg14 : memref<!tpu.dma_semaphore, #tpu.memory_space<semaphore_mem>>) src(%dma_wait3A_48 : memref<10000x64xf32, #tpu.memory_space<vmem_shared>>) dst(%arg8 : memref<80x64xf32, #tpu.memory_space<vmem>>)
    "tpu.region"() ({
      %run_scoped3A_74 = tpu.sem_alloc : memref<!tpu.dma_semaphore, #tpu.memory_space<semaphore_mem>>
      %dma_start3A_75 = arith.constant 9600 : i32
      %dma_start3A_76 = tpu.memref_slice %arg7[%dma_start3A_75] : memref<10000xi32, #tpu.memory_space<vmem>> -> memref<80xi32, #tpu.memory_space<vmem>>
      %dma_start3A_77 = arith.constant 0 : i32
      %dma_start3A_78 = arith.constant 0 : i32
      %dma_start3A_79 = tpu.memref_slice %arg21[%dma_start3A_77, %dma_start3A_78] : memref<10000x64xf32, #tpu.memory_space<vmem_shared>> -> memref<10000x64xf32, #tpu.memory_space<vmem_shared>>
      tpu.enqueue_indirect_dma source(%arg8 : memref<80x64xf32, #tpu.memory_space<vmem>>) target(%dma_start3A_79 : memref<10000x64xf32, #tpu.memory_space<vmem_shared>>) offsets(%dma_start3A_76 : memref<80xi32, #tpu.memory_space<vmem>>) semaphore(%run_scoped3A_74 : memref<!tpu.dma_semaphore, #tpu.memory_space<semaphore_mem>>) {add = true}
      %dma_wait3A_80 = arith.constant 9600 : i32
      %dma_wait3A_81 = tpu.memref_slice %arg7[%dma_wait3A_80] : memref<10000xi32, #tpu.memory_space<vmem>> -> memref<80xi32, #tpu.memory_space<vmem>>
      %dma_wait3A_82 = arith.constant 0 : i32
      %dma_wait3A_83 = arith.constant 0 : i32
      %dma_wait3A_84 = tpu.memref_slice %arg21[%dma_wait3A_82, %dma_wait3A_83] : memref<10000x64xf32, #tpu.memory_space<vmem_shared>> -> memref<10000x64xf32, #tpu.memory_space<vmem_shared>>
      tpu.wait_indirect_dma semaphore(%run_scoped3A_74 : memref<!tpu.dma_semaphore, #tpu.memory_space<semaphore_mem>>) src(%arg8 : memref<80x64xf32, #tpu.memory_space<vmem>>) dst(%dma_wait3A_84 : memref<10000x64xf32, #tpu.memory_space<vmem_shared>>)
      tpu.yield
    }) : () -> ()
    %dma_wait3A_49 = arith.constant 9680 : i32
    %dma_wait3A_50 = tpu.memref_slice %arg6[%dma_wait3A_49] : memref<10000xi32, #tpu.memory_space<vmem>> -> memref<80xi32, #tpu.memory_space<vmem>>
    %dma_wait3A_51 = arith.constant 0 : i32
    %dma_wait3A_52 = arith.constant 0 : i32
    %dma_wait3A_53 = tpu.memref_slice %arg20[%dma_wait3A_51, %dma_wait3A_52] : memref<10000x64xf32, #tpu.memory_space<vmem_shared>> -> memref<10000x64xf32, #tpu.memory_space<vmem_shared>>
    tpu.wait_indirect_dma semaphore(%arg15 : memref<!tpu.dma_semaphore, #tpu.memory_space<semaphore_mem>>) src(%dma_wait3A_53 : memref<10000x64xf32, #tpu.memory_space<vmem_shared>>) dst(%arg9 : memref<80x64xf32, #tpu.memory_space<vmem>>)
    "tpu.region"() ({
      %run_scoped3A_74 = tpu.sem_alloc : memref<!tpu.dma_semaphore, #tpu.memory_space<semaphore_mem>>
      %dma_start3A_75 = arith.constant 9680 : i32
      %dma_start3A_76 = tpu.memref_slice %arg7[%dma_start3A_75] : memref<10000xi32, #tpu.memory_space<vmem>> -> memref<80xi32, #tpu.memory_space<vmem>>
      %dma_start3A_77 = arith.constant 0 : i32
      %dma_start3A_78 = arith.constant 0 : i32
      %dma_start3A_79 = tpu.memref_slice %arg21[%dma_start3A_77, %dma_start3A_78] : memref<10000x64xf32, #tpu.memory_space<vmem_shared>> -> memref<10000x64xf32, #tpu.memory_space<vmem_shared>>
      tpu.enqueue_indirect_dma source(%arg9 : memref<80x64xf32, #tpu.memory_space<vmem>>) target(%dma_start3A_79 : memref<10000x64xf32, #tpu.memory_space<vmem_shared>>) offsets(%dma_start3A_76 : memref<80xi32, #tpu.memory_space<vmem>>) semaphore(%run_scoped3A_74 : memref<!tpu.dma_semaphore, #tpu.memory_space<semaphore_mem>>) {add = true}
      %dma_wait3A_80 = arith.constant 9680 : i32
      %dma_wait3A_81 = tpu.memref_slice %arg7[%dma_wait3A_80] : memref<10000xi32, #tpu.memory_space<vmem>> -> memref<80xi32, #tpu.memory_space<vmem>>
      %dma_wait3A_82 = arith.constant 0 : i32
      %dma_wait3A_83 = arith.constant 0 : i32
      %dma_wait3A_84 = tpu.memref_slice %arg21[%dma_wait3A_82, %dma_wait3A_83] : memref<10000x64xf32, #tpu.memory_space<vmem_shared>> -> memref<10000x64xf32, #tpu.memory_space<vmem_shared>>
      tpu.wait_indirect_dma semaphore(%run_scoped3A_74 : memref<!tpu.dma_semaphore, #tpu.memory_space<semaphore_mem>>) src(%arg9 : memref<80x64xf32, #tpu.memory_space<vmem>>) dst(%dma_wait3A_84 : memref<10000x64xf32, #tpu.memory_space<vmem_shared>>)
      tpu.yield
    }) : () -> ()
    %dma_wait3A_54 = arith.constant 9760 : i32
    %dma_wait3A_55 = tpu.memref_slice %arg6[%dma_wait3A_54] : memref<10000xi32, #tpu.memory_space<vmem>> -> memref<80xi32, #tpu.memory_space<vmem>>
    %dma_wait3A_56 = arith.constant 0 : i32
    %dma_wait3A_57 = arith.constant 0 : i32
    %dma_wait3A_58 = tpu.memref_slice %arg20[%dma_wait3A_56, %dma_wait3A_57] : memref<10000x64xf32, #tpu.memory_space<vmem_shared>> -> memref<10000x64xf32, #tpu.memory_space<vmem_shared>>
    tpu.wait_indirect_dma semaphore(%arg16 : memref<!tpu.dma_semaphore, #tpu.memory_space<semaphore_mem>>) src(%dma_wait3A_58 : memref<10000x64xf32, #tpu.memory_space<vmem_shared>>) dst(%arg10 : memref<80x64xf32, #tpu.memory_space<vmem>>)
    "tpu.region"() ({
      %run_scoped3A_74 = tpu.sem_alloc : memref<!tpu.dma_semaphore, #tpu.memory_space<semaphore_mem>>
      %dma_start3A_75 = arith.constant 9760 : i32
      %dma_start3A_76 = tpu.memref_slice %arg7[%dma_start3A_75] : memref<10000xi32, #tpu.memory_space<vmem>> -> memref<80xi32, #tpu.memory_space<vmem>>
      %dma_start3A_77 = arith.constant 0 : i32
      %dma_start3A_78 = arith.constant 0 : i32
      %dma_start3A_79 = tpu.memref_slice %arg21[%dma_start3A_77, %dma_start3A_78] : memref<10000x64xf32, #tpu.memory_space<vmem_shared>> -> memref<10000x64xf32, #tpu.memory_space<vmem_shared>>
      tpu.enqueue_indirect_dma source(%arg10 : memref<80x64xf32, #tpu.memory_space<vmem>>) target(%dma_start3A_79 : memref<10000x64xf32, #tpu.memory_space<vmem_shared>>) offsets(%dma_start3A_76 : memref<80xi32, #tpu.memory_space<vmem>>) semaphore(%run_scoped3A_74 : memref<!tpu.dma_semaphore, #tpu.memory_space<semaphore_mem>>) {add = true}
      %dma_wait3A_80 = arith.constant 9760 : i32
      %dma_wait3A_81 = tpu.memref_slice %arg7[%dma_wait3A_80] : memref<10000xi32, #tpu.memory_space<vmem>> -> memref<80xi32, #tpu.memory_space<vmem>>
      %dma_wait3A_82 = arith.constant 0 : i32
      %dma_wait3A_83 = arith.constant 0 : i32
      %dma_wait3A_84 = tpu.memref_slice %arg21[%dma_wait3A_82, %dma_wait3A_83] : memref<10000x64xf32, #tpu.memory_space<vmem_shared>> -> memref<10000x64xf32, #tpu.memory_space<vmem_shared>>
      tpu.wait_indirect_dma semaphore(%run_scoped3A_74 : memref<!tpu.dma_semaphore, #tpu.memory_space<semaphore_mem>>) src(%arg10 : memref<80x64xf32, #tpu.memory_space<vmem>>) dst(%dma_wait3A_84 : memref<10000x64xf32, #tpu.memory_space<vmem_shared>>)
      tpu.yield
    }) : () -> ()
    %dma_wait3A_59 = arith.constant 9840 : i32
    %dma_wait3A_60 = tpu.memref_slice %arg6[%dma_wait3A_59] : memref<10000xi32, #tpu.memory_space<vmem>> -> memref<80xi32, #tpu.memory_space<vmem>>
    %dma_wait3A_61 = arith.constant 0 : i32
    %dma_wait3A_62 = arith.constant 0 : i32
    %dma_wait3A_63 = tpu.memref_slice %arg20[%dma_wait3A_61, %dma_wait3A_62] : memref<10000x64xf32, #tpu.memory_space<vmem_shared>> -> memref<10000x64xf32, #tpu.memory_space<vmem_shared>>
    tpu.wait_indirect_dma semaphore(%arg17 : memref<!tpu.dma_semaphore, #tpu.memory_space<semaphore_mem>>) src(%dma_wait3A_63 : memref<10000x64xf32, #tpu.memory_space<vmem_shared>>) dst(%arg11 : memref<80x64xf32, #tpu.memory_space<vmem>>)
    "tpu.region"() ({
      %run_scoped3A_74 = tpu.sem_alloc : memref<!tpu.dma_semaphore, #tpu.memory_space<semaphore_mem>>
      %dma_start3A_75 = arith.constant 9840 : i32
      %dma_start3A_76 = tpu.memref_slice %arg7[%dma_start3A_75] : memref<10000xi32, #tpu.memory_space<vmem>> -> memref<80xi32, #tpu.memory_space<vmem>>
      %dma_start3A_77 = arith.constant 0 : i32
      %dma_start3A_78 = arith.constant 0 : i32
      %dma_start3A_79 = tpu.memref_slice %arg21[%dma_start3A_77, %dma_start3A_78] : memref<10000x64xf32, #tpu.memory_space<vmem_shared>> -> memref<10000x64xf32, #tpu.memory_space<vmem_shared>>
      tpu.enqueue_indirect_dma source(%arg11 : memref<80x64xf32, #tpu.memory_space<vmem>>) target(%dma_start3A_79 : memref<10000x64xf32, #tpu.memory_space<vmem_shared>>) offsets(%dma_start3A_76 : memref<80xi32, #tpu.memory_space<vmem>>) semaphore(%run_scoped3A_74 : memref<!tpu.dma_semaphore, #tpu.memory_space<semaphore_mem>>) {add = true}
      %dma_wait3A_80 = arith.constant 9840 : i32
      %dma_wait3A_81 = tpu.memref_slice %arg7[%dma_wait3A_80] : memref<10000xi32, #tpu.memory_space<vmem>> -> memref<80xi32, #tpu.memory_space<vmem>>
      %dma_wait3A_82 = arith.constant 0 : i32
      %dma_wait3A_83 = arith.constant 0 : i32
      %dma_wait3A_84 = tpu.memref_slice %arg21[%dma_wait3A_82, %dma_wait3A_83] : memref<10000x64xf32, #tpu.memory_space<vmem_shared>> -> memref<10000x64xf32, #tpu.memory_space<vmem_shared>>
      tpu.wait_indirect_dma semaphore(%run_scoped3A_74 : memref<!tpu.dma_semaphore, #tpu.memory_space<semaphore_mem>>) src(%arg11 : memref<80x64xf32, #tpu.memory_space<vmem>>) dst(%dma_wait3A_84 : memref<10000x64xf32, #tpu.memory_space<vmem_shared>>)
      tpu.yield
    }) : () -> ()
    %dma_wait3A_64 = arith.constant 9920 : i32
    %dma_wait3A_65 = tpu.memref_slice %arg6[%dma_wait3A_64] : memref<10000xi32, #tpu.memory_space<vmem>> -> memref<80xi32, #tpu.memory_space<vmem>>
    %dma_wait3A_66 = arith.constant 0 : i32
    %dma_wait3A_67 = arith.constant 0 : i32
    %dma_wait3A_68 = tpu.memref_slice %arg20[%dma_wait3A_66, %dma_wait3A_67] : memref<10000x64xf32, #tpu.memory_space<vmem_shared>> -> memref<10000x64xf32, #tpu.memory_space<vmem_shared>>
    tpu.wait_indirect_dma semaphore(%arg18 : memref<!tpu.dma_semaphore, #tpu.memory_space<semaphore_mem>>) src(%dma_wait3A_68 : memref<10000x64xf32, #tpu.memory_space<vmem_shared>>) dst(%arg12 : memref<80x64xf32, #tpu.memory_space<vmem>>)
    "tpu.region"() ({
      %run_scoped3A_74 = tpu.sem_alloc : memref<!tpu.dma_semaphore, #tpu.memory_space<semaphore_mem>>
      %dma_start3A_75 = arith.constant 9920 : i32
      %dma_start3A_76 = tpu.memref_slice %arg7[%dma_start3A_75] : memref<10000xi32, #tpu.memory_space<vmem>> -> memref<80xi32, #tpu.memory_space<vmem>>
      %dma_start3A_77 = arith.constant 0 : i32
      %dma_start3A_78 = arith.constant 0 : i32
      %dma_start3A_79 = tpu.memref_slice %arg21[%dma_start3A_77, %dma_start3A_78] : memref<10000x64xf32, #tpu.memory_space<vmem_shared>> -> memref<10000x64xf32, #tpu.memory_space<vmem_shared>>
      tpu.enqueue_indirect_dma source(%arg12 : memref<80x64xf32, #tpu.memory_space<vmem>>) target(%dma_start3A_79 : memref<10000x64xf32, #tpu.memory_space<vmem_shared>>) offsets(%dma_start3A_76 : memref<80xi32, #tpu.memory_space<vmem>>) semaphore(%run_scoped3A_74 : memref<!tpu.dma_semaphore, #tpu.memory_space<semaphore_mem>>) {add = true}
      %dma_wait3A_80 = arith.constant 9920 : i32
      %dma_wait3A_81 = tpu.memref_slice %arg7[%dma_wait3A_80] : memref<10000xi32, #tpu.memory_space<vmem>> -> memref<80xi32, #tpu.memory_space<vmem>>
      %dma_wait3A_82 = arith.constant 0 : i32
      %dma_wait3A_83 = arith.constant 0 : i32
      %dma_wait3A_84 = tpu.memref_slice %arg21[%dma_wait3A_82, %dma_wait3A_83] : memref<10000x64xf32, #tpu.memory_space<vmem_shared>> -> memref<10000x64xf32, #tpu.memory_space<vmem_shared>>
      tpu.wait_indirect_dma semaphore(%run_scoped3A_74 : memref<!tpu.dma_semaphore, #tpu.memory_space<semaphore_mem>>) src(%arg12 : memref<80x64xf32, #tpu.memory_space<vmem>>) dst(%dma_wait3A_84 : memref<10000x64xf32, #tpu.memory_space<vmem_shared>>)
      tpu.yield
    }) : () -> ()
    %barrier3A_69 = arith.constant 0 : index
    tpu.barrier barrier_id(%barrier3A_69)
    %mul3A_70 = arith.constant 625 : i32
    %mul3A_71 = arith.muli %arg1, %mul3A_70 : i32
    %mul3A_72 = arith.constant 625 : i32
    %mul3A_73 = arith.muli %arg1, %mul3A_72 : i32
    "tpu.region"() ({
      %run_scoped3A_74 = tpu.sem_alloc : memref<!tpu.dma_semaphore, #tpu.memory_space<semaphore_mem>>
      %dma_start3A_75 = arith.constant 0 : i32
      %dma_start3A_76 = tpu.memref_slice %arg5[%arg0, %mul3A_73, %dma_start3A_75] : memref<2x10000x64xf32, #tpu.memory_space<hbm>> -> memref<1x625x64xf32, #tpu.memory_space<hbm>>
      %dma_start3A_77 = tpu.memref_squeeze %dma_start3A_76 : memref<1x625x64xf32, #tpu.memory_space<hbm>> -> memref<625x64xf32, #tpu.memory_space<hbm>>
      %dma_start3A_78 = arith.constant 0 : i32
      %dma_start3A_79 = tpu.memref_slice %arg21[%mul3A_71, %dma_start3A_78] : memref<10000x64xf32, #tpu.memory_space<vmem_shared>> -> memref<625x64xf32, #tpu.memory_space<vmem_shared>>
      tpu.enqueue_dma source(%dma_start3A_79 : memref<625x64xf32, #tpu.memory_space<vmem_shared>>) target(%dma_start3A_77 : memref<625x64xf32, #tpu.memory_space<hbm>>) target_semaphore(%run_scoped3A_74 : memref<!tpu.dma_semaphore, #tpu.memory_space<semaphore_mem>>)
      %dma_wait3A_80 = arith.constant 0 : i32
      %dma_wait3A_81 = tpu.memref_slice %arg5[%arg0, %mul3A_73, %dma_wait3A_80] : memref<2x10000x64xf32, #tpu.memory_space<hbm>> -> memref<1x625x64xf32, #tpu.memory_space<hbm>>
      %dma_wait3A_82 = tpu.memref_squeeze %dma_wait3A_81 : memref<1x625x64xf32, #tpu.memory_space<hbm>> -> memref<625x64xf32, #tpu.memory_space<hbm>>
      %dma_wait3A_83 = arith.constant 0 : i32
      %dma_wait3A_84 = tpu.memref_slice %arg21[%mul3A_71, %dma_wait3A_83] : memref<10000x64xf32, #tpu.memory_space<vmem_shared>> -> memref<625x64xf32, #tpu.memory_space<vmem_shared>>
      tpu.wait_dma2 semaphore(%run_scoped3A_74 : memref<!tpu.dma_semaphore, #tpu.memory_space<semaphore_mem>>) src(%dma_wait3A_84 : memref<625x64xf32, #tpu.memory_space<vmem_shared>>) dst(%dma_wait3A_82 : memref<625x64xf32, #tpu.memory_space<hbm>>)
      tpu.yield
    }) : () -> ()
    return
  }
}

module attributes {stable_mosaic.version = 14 : i64} {
  func.func @_tc_x_body(%arg0: i32, %arg1: memref<2000x128xf32, #tpu.memory_space<vmem>>, %arg2: memref<128x64xf32, #tpu.memory_space<vmem>>, %arg3: memref<128x32xf32, #tpu.memory_space<vmem>>, %arg4: memref<1x32xf32, #tpu.memory_space<vmem>>, %arg5: memref<2000x64xf32, #tpu.memory_space<vmem>>, %arg6: memref<2000x32xf32, #tpu.memory_space<vmem>>) attributes {dimension_semantics = [#tpu.dimension_semantics<arbitrary>], iteration_bounds = array<i64: 5>, scalar_prefetch = 0 : i64, scratch_operands = 0 : i64, tpu.core_type = #tpu.core_type<tc>, window_params = [{transform_indices = @transform_0, window_bounds = array<i64: 2000, 128>}, {pipeline_mode = #tpu.pipeline_mode<synchronous>, transform_indices = @transform_1, window_bounds = array<i64: 128, 64>}, {pipeline_mode = #tpu.pipeline_mode<synchronous>, transform_indices = @transform_2, window_bounds = array<i64: 128, 32>}, {pipeline_mode = #tpu.pipeline_mode<synchronous>, transform_indices = @transform_3, window_bounds = array<i64: 1, 32>}, {transform_indices = @transform_4, window_bounds = array<i64: 2000, 64>}, {transform_indices = @transform_5, window_bounds = array<i64: 2000, 32>}]} {
    %get3A = arith.constant 0 : index
    %get3A_0 = arith.constant 0 : index
    %get3A_1 = vector.load %arg1[%get3A, %get3A_0] : memref<2000x128xf32, #tpu.memory_space<vmem>>, vector<2000x128xf32>
    %get3A_2 = arith.constant 0 : index
    %get3A_3 = arith.constant 0 : index
    %get3A_4 = vector.load %arg2[%get3A_2, %get3A_3] : memref<128x64xf32, #tpu.memory_space<vmem>>, vector<128x64xf32>
    %dot_general3A = arith.constant dense<0.000000e+00> : vector<2000x64xf32>
    %dot_general3A_5 = tpu.matmul %get3A_1, %get3A_4, %dot_general3A {dimension_numbers = #tpu.dot_dimension_numbers<[1], [0], [0], [1], [0, 0, 1, 1], [], []>, transpose_lhs_hint = false} : vector<2000x128xf32>, vector<128x64xf32>, vector<2000x64xf32> -> vector<2000x64xf32>
    %swap3A = arith.constant 0 : index
    %swap3A_6 = arith.constant 0 : index
    %swap3A_7 = vector.load %arg5[%swap3A, %swap3A_6] : memref<2000x64xf32, #tpu.memory_space<vmem>>, vector<2000x64xf32>
    tpu.vector_store %arg5[%swap3A, %swap3A_6], %dot_general3A_5 {strides = array<i32>} : memref<2000x64xf32, #tpu.memory_space<vmem>>, vector<2000x64xf32>,
    %get3A_8 = arith.constant 0 : index
    %get3A_9 = arith.constant 0 : index
    %get3A_10 = vector.load %arg1[%get3A_8, %get3A_9] : memref<2000x128xf32, #tpu.memory_space<vmem>>, vector<2000x128xf32>
    %get3A_11 = arith.constant 0 : index
    %get3A_12 = arith.constant 0 : index
    %get3A_13 = vector.load %arg3[%get3A_11, %get3A_12] : memref<128x32xf32, #tpu.memory_space<vmem>>, vector<128x32xf32>
    %dot_general3A_14 = arith.constant dense<0.000000e+00> : vector<2000x32xf32>
    %dot_general3A_15 = tpu.matmul %get3A_10, %get3A_13, %dot_general3A_14 {dimension_numbers = #tpu.dot_dimension_numbers<[1], [0], [0], [1], [0, 0, 1, 1], [], []>, transpose_lhs_hint = false} : vector<2000x128xf32>, vector<128x32xf32>, vector<2000x32xf32> -> vector<2000x32xf32>
    %get3A_16 = arith.constant 0 : index
    %get3A_17 = arith.constant 0 : index
    %get3A_18 = vector.load %arg4[%get3A_16, %get3A_17] : memref<1x32xf32, #tpu.memory_space<vmem>>, vector<1x32xf32>
    %add3A = vector.broadcast %get3A_18 : vector<1x32xf32> to vector<2000x32xf32>
    %add3A_19 = arith.addf %dot_general3A_15, %add3A : vector<2000x32xf32>
    %swap3A_20 = arith.constant 0 : index
    %swap3A_21 = arith.constant 0 : index
    %swap3A_22 = vector.load %arg6[%swap3A_20, %swap3A_21] : memref<2000x32xf32, #tpu.memory_space<vmem>>, vector<2000x32xf32>
    tpu.vector_store %arg6[%swap3A_20, %swap3A_21], %add3A_19 {strides = array<i32>} : memref<2000x32xf32, #tpu.memory_space<vmem>>, vector<2000x32xf32>,
    return
  }
  func.func @transform_0(%arg0: i32) -> (i32, i32) {
    %c0_i32 = arith.constant 0 : i32
    %c0_i32_0 = arith.constant 0 : i32
    return %arg0, %c0_i32 : i32, i32
  }
  func.func @transform_1(%arg0: i32) -> (i32, i32) {
    %c0_i32 = arith.constant 0 : i32
    %c0_i32_0 = arith.constant 0 : i32
    %c0_i32_1 = arith.constant 0 : i32
    return %c0_i32, %c0_i32_0 : i32, i32
  }
  func.func @transform_2(%arg0: i32) -> (i32, i32) {
    %c0_i32 = arith.constant 0 : i32
    %c0_i32_0 = arith.constant 0 : i32
    %c0_i32_1 = arith.constant 0 : i32
    return %c0_i32, %c0_i32_0 : i32, i32
  }
  func.func @transform_3(%arg0: i32) -> (i32, i32) {
    %c0_i32 = arith.constant 0 : i32
    %c0_i32_0 = arith.constant 0 : i32
    %c0_i32_1 = arith.constant 0 : i32
    return %c0_i32, %c0_i32_0 : i32, i32
  }
  func.func @transform_4(%arg0: i32) -> (i32, i32) {
    %c0_i32 = arith.constant 0 : i32
    %c0_i32_0 = arith.constant 0 : i32
    return %arg0, %c0_i32 : i32, i32
  }
  func.func @transform_5(%arg0: i32) -> (i32, i32) {
    %c0_i32 = arith.constant 0 : i32
    %c0_i32_0 = arith.constant 0 : i32
    return %arg0, %c0_i32 : i32, i32
  }
}

module attributes {stable_mosaic.version = 14 : i64} {
  func.func @_tc_y_body(%arg0: i32, %arg1: memref<2000x64xf32, #tpu.memory_space<vmem>>, %arg2: memref<2x2000x16xf32, #tpu.memory_space<vmem>>, %arg3: memref<2000x64xf32, #tpu.memory_space<vmem>>) attributes {dimension_semantics = [#tpu.dimension_semantics<arbitrary>], iteration_bounds = array<i64: 5>, scalar_prefetch = 0 : i64, scratch_operands = 0 : i64, tpu.core_type = #tpu.core_type<tc>, window_params = [{transform_indices = @transform_0, window_bounds = array<i64: 2000, 64>}, {transform_indices = @transform_1, window_bounds = array<i64: 2, 2000, 16>}, {transform_indices = @transform_2, window_bounds = array<i64: 2000, 64>}]} {
    %get3A = arith.constant 0 : index
    %get3A_0 = arith.constant 0 : index
    %get3A_1 = arith.constant 0 : index
    %get3A_2 = vector.load %arg2[%get3A, %get3A_0, %get3A_1] : memref<2x2000x16xf32, #tpu.memory_space<vmem>>, vector<2x2000x16xf32>
    %slice3A = vector.extract_strided_slice %get3A_2 {offsets = [0, 0, 0], sizes = [1, 2000, 1], strides = [1, 1, 1]} : vector<2x2000x16xf32> to vector<1x2000x1xf32>
    %squeeze3A = vector.shape_cast %slice3A : vector<1x2000x1xf32> to vector<2000x1xf32>
    %slice3A_3 = vector.extract_strided_slice %get3A_2 {offsets = [1, 0, 0], sizes = [1, 2000, 1], strides = [1, 1, 1]} : vector<2x2000x16xf32> to vector<1x2000x1xf32>
    %squeeze3A_4 = vector.shape_cast %slice3A_3 : vector<1x2000x1xf32> to vector<2000x1xf32>
    %add3A = arith.addf %squeeze3A, %squeeze3A_4 : vector<2000x1xf32>
    %add3A_5 = arith.constant 1.000000e+00 : f32
    %add3A_6 = vector.broadcast %add3A_5 : f32 to vector<2000x1xf32>
    %add3A_7 = arith.addf %add3A, %add3A_6 : vector<2000x1xf32>
    %rsqrt3A = math.rsqrt %add3A_7 : vector<2000x1xf32>
    %get3A_8 = arith.constant 0 : index
    %get3A_9 = arith.constant 0 : index
    %get3A_10 = vector.load %arg1[%get3A_8, %get3A_9] : memref<2000x64xf32, #tpu.memory_space<vmem>>, vector<2000x64xf32>
    %mul3A = vector.broadcast %rsqrt3A : vector<2000x1xf32> to vector<2000x64xf32>
    %mul3A_11 = arith.mulf %get3A_10, %mul3A : vector<2000x64xf32>
    %swap3A = arith.constant 0 : index
    %swap3A_12 = arith.constant 0 : index
    %swap3A_13 = vector.load %arg3[%swap3A, %swap3A_12] : memref<2000x64xf32, #tpu.memory_space<vmem>>, vector<2000x64xf32>
    tpu.vector_store %arg3[%swap3A, %swap3A_12], %mul3A_11 {strides = array<i32>} : memref<2000x64xf32, #tpu.memory_space<vmem>>, vector<2000x64xf32>,
    return
  }
  func.func @transform_0(%arg0: i32) -> (i32, i32) {
    %c0_i32 = arith.constant 0 : i32
    %c0_i32_0 = arith.constant 0 : i32
    return %arg0, %c0_i32 : i32, i32
  }
  func.func @transform_1(%arg0: i32) -> (i32, i32, i32) {
    %c0_i32 = arith.constant 0 : i32
    %c0_i32_0 = arith.constant 0 : i32
    %c0_i32_1 = arith.constant 0 : i32
    return %c0_i32, %arg0, %c0_i32_0 : i32, i32, i32
  }
  func.func @transform_2(%arg0: i32) -> (i32, i32) {
    %c0_i32 = arith.constant 0 : i32
    %c0_i32_0 = arith.constant 0 : i32
    return %arg0, %c0_i32 : i32, i32
  }
}

module attributes {stable_mosaic.version = 14 : i64} {
  func.func @_tc_e_body(%arg0: i32, %arg1: memref<2x2000x64xf32, #tpu.memory_space<vmem>>, %arg2: memref<2x2000x16xf32, #tpu.memory_space<vmem>>, %arg3: memref<2000x32xf32, #tpu.memory_space<vmem>>, %arg4: memref<1x64xf32, #tpu.memory_space<vmem>>, %arg5: memref<64x32xf32, #tpu.memory_space<vmem>>, %arg6: memref<1x32xf32, #tpu.memory_space<vmem>>, %arg7: memref<32x7xf32, #tpu.memory_space<vmem>>, %arg8: memref<1x7xf32, #tpu.memory_space<vmem>>, %arg9: memref<2000x7xf32, #tpu.memory_space<vmem>>, %arg10: memref<2000x1xf32, #tpu.memory_space<vmem>>, %arg11: memref<2000x32xf32, #tpu.memory_space<vmem>>) attributes {dimension_semantics = [#tpu.dimension_semantics<arbitrary>], iteration_bounds = array<i64: 5>, scalar_prefetch = 0 : i64, scratch_operands = 0 : i64, tpu.core_type = #tpu.core_type<tc>, window_params = [{transform_indices = @transform_0, window_bounds = array<i64: 2, 2000, 64>}, {transform_indices = @transform_1, window_bounds = array<i64: 2, 2000, 16>}, {transform_indices = @transform_2, window_bounds = array<i64: 2000, 32>}, {pipeline_mode = #tpu.pipeline_mode<synchronous>, transform_indices = @transform_3, window_bounds = array<i64: 1, 64>}, {pipeline_mode = #tpu.pipeline_mode<synchronous>, transform_indices = @transform_4, window_bounds = array<i64: 64, 32>}, {pipeline_mode = #tpu.pipeline_mode<synchronous>, transform_indices = @transform_5, window_bounds = array<i64: 1, 32>}, {pipeline_mode = #tpu.pipeline_mode<synchronous>, transform_indices = @transform_6, window_bounds = array<i64: 32, 7>}, {pipeline_mode = #tpu.pipeline_mode<synchronous>, transform_indices = @transform_7, window_bounds = array<i64: 1, 7>}, {transform_indices = @transform_8, window_bounds = array<i64: 2000, 7>}, {transform_indices = @transform_9, window_bounds = array<i64: 2000, 1>}, {transform_indices = @transform_10, window_bounds = array<i64: 2000, 32>}]} {
    %get3A = arith.constant 0 : index
    %get3A_0 = arith.constant 0 : index
    %get3A_1 = arith.constant 0 : index
    %get3A_2 = vector.load %arg2[%get3A, %get3A_0, %get3A_1] : memref<2x2000x16xf32, #tpu.memory_space<vmem>>, vector<2x2000x16xf32>
    %slice3A = vector.extract_strided_slice %get3A_2 {offsets = [0, 0, 0], sizes = [1, 2000, 1], strides = [1, 1, 1]} : vector<2x2000x16xf32> to vector<1x2000x1xf32>
    %squeeze3A = vector.shape_cast %slice3A : vector<1x2000x1xf32> to vector<2000x1xf32>
    %slice3A_3 = vector.extract_strided_slice %get3A_2 {offsets = [1, 0, 0], sizes = [1, 2000, 1], strides = [1, 1, 1]} : vector<2x2000x16xf32> to vector<1x2000x1xf32>
    %squeeze3A_4 = vector.shape_cast %slice3A_3 : vector<1x2000x1xf32> to vector<2000x1xf32>
    %add3A = arith.addf %squeeze3A, %squeeze3A_4 : vector<2000x1xf32>
    %add3A_5 = arith.constant 1.000000e+00 : f32
    %add3A_6 = vector.broadcast %add3A_5 : f32 to vector<2000x1xf32>
    %add3A_7 = arith.addf %add3A, %add3A_6 : vector<2000x1xf32>
    %rsqrt3A = math.rsqrt %add3A_7 : vector<2000x1xf32>
    %get3A_8 = arith.constant 0 : index
    %get3A_9 = arith.constant 0 : index
    %get3A_10 = arith.constant 0 : index
    %get3A_11 = vector.load %arg1[%get3A_8, %get3A_9, %get3A_10] : memref<2x2000x64xf32, #tpu.memory_space<vmem>>, vector<2x2000x64xf32>
    %slice3A_12 = vector.extract_strided_slice %get3A_11 {offsets = [0, 0, 0], sizes = [1, 2000, 64], strides = [1, 1, 1]} : vector<2x2000x64xf32> to vector<1x2000x64xf32>
    %squeeze3A_13 = vector.shape_cast %slice3A_12 : vector<1x2000x64xf32> to vector<2000x64xf32>
    %slice3A_14 = vector.extract_strided_slice %get3A_11 {offsets = [1, 0, 0], sizes = [1, 2000, 64], strides = [1, 1, 1]} : vector<2x2000x64xf32> to vector<1x2000x64xf32>
    %squeeze3A_15 = vector.shape_cast %slice3A_14 : vector<1x2000x64xf32> to vector<2000x64xf32>
    %add3A_16 = arith.addf %squeeze3A_13, %squeeze3A_15 : vector<2000x64xf32>
    %mul3A = vector.broadcast %rsqrt3A : vector<2000x1xf32> to vector<2000x64xf32>
    %mul3A_17 = arith.mulf %add3A_16, %mul3A : vector<2000x64xf32>
    %get3A_18 = arith.constant 0 : index
    %get3A_19 = arith.constant 0 : index
    %get3A_20 = vector.load %arg4[%get3A_18, %get3A_19] : memref<1x64xf32, #tpu.memory_space<vmem>>, vector<1x64xf32>
    %add3A_21 = vector.broadcast %get3A_20 : vector<1x64xf32> to vector<2000x64xf32>
    %add3A_22 = arith.addf %mul3A_17, %add3A_21 : vector<2000x64xf32>
    %max3A = arith.constant 0.000000e+00 : f32
    %max3A_23 = vector.broadcast %max3A : f32 to vector<2000x64xf32>
    %max3A_24 = arith.maximumf %add3A_22, %max3A_23 : vector<2000x64xf32>
    %get3A_25 = arith.constant 0 : index
    %get3A_26 = arith.constant 0 : index
    %get3A_27 = vector.load %arg5[%get3A_25, %get3A_26] : memref<64x32xf32, #tpu.memory_space<vmem>>, vector<64x32xf32>
    %dot_general3A = arith.constant dense<0.000000e+00> : vector<2000x32xf32>
    %dot_general3A_28 = tpu.matmul %max3A_24, %get3A_27, %dot_general3A {dimension_numbers = #tpu.dot_dimension_numbers<[1], [0], [0], [1], [0, 0, 1, 1], [], []>, transpose_lhs_hint = false} : vector<2000x64xf32>, vector<64x32xf32>, vector<2000x32xf32> -> vector<2000x32xf32>
    %get3A_29 = arith.constant 0 : index
    %get3A_30 = arith.constant 0 : index
    %get3A_31 = vector.load %arg6[%get3A_29, %get3A_30] : memref<1x32xf32, #tpu.memory_space<vmem>>, vector<1x32xf32>
    %add3A_32 = vector.broadcast %get3A_31 : vector<1x32xf32> to vector<2000x32xf32>
    %add3A_33 = arith.addf %dot_general3A_28, %add3A_32 : vector<2000x32xf32>
    %swap3A = arith.constant 0 : index
    %swap3A_34 = arith.constant 0 : index
    %swap3A_35 = vector.load %arg11[%swap3A, %swap3A_34] : memref<2000x32xf32, #tpu.memory_space<vmem>>, vector<2000x32xf32>
    tpu.vector_store %arg11[%swap3A, %swap3A_34], %add3A_33 {strides = array<i32>} : memref<2000x32xf32, #tpu.memory_space<vmem>>, vector<2000x32xf32>,
    %get3A_36 = arith.constant 0 : index
    %get3A_37 = arith.constant 0 : index
    %get3A_38 = vector.load %arg7[%get3A_36, %get3A_37] : memref<32x7xf32, #tpu.memory_space<vmem>>, vector<32x7xf32>
    %dot_general3A_39 = arith.constant dense<0.000000e+00> : vector<2000x7xf32>
    %dot_general3A_40 = tpu.matmul %add3A_33, %get3A_38, %dot_general3A_39 {dimension_numbers = #tpu.dot_dimension_numbers<[1], [0], [0], [1], [0, 0, 1, 1], [], []>, transpose_lhs_hint = false} : vector<2000x32xf32>, vector<32x7xf32>, vector<2000x7xf32> -> vector<2000x7xf32>
    %get3A_41 = arith.constant 0 : index
    %get3A_42 = arith.constant 0 : index
    %get3A_43 = vector.load %arg8[%get3A_41, %get3A_42] : memref<1x7xf32, #tpu.memory_space<vmem>>, vector<1x7xf32>
    %add3A_44 = vector.broadcast %get3A_43 : vector<1x7xf32> to vector<2000x7xf32>
    %add3A_45 = arith.addf %dot_general3A_40, %add3A_44 : vector<2000x7xf32>
    %swap3A_46 = arith.constant 0 : index
    %swap3A_47 = arith.constant 0 : index
    %swap3A_48 = vector.load %arg9[%swap3A_46, %swap3A_47] : memref<2000x7xf32, #tpu.memory_space<vmem>>, vector<2000x7xf32>
    tpu.vector_store %arg9[%swap3A_46, %swap3A_47], %add3A_45 {strides = array<i32>} : memref<2000x7xf32, #tpu.memory_space<vmem>>, vector<2000x7xf32>,
    %get3A_49 = arith.constant 0 : index
    %get3A_50 = arith.constant 0 : index
    %get3A_51 = vector.load %arg3[%get3A_49, %get3A_50] : memref<2000x32xf32, #tpu.memory_space<vmem>>, vector<2000x32xf32>
    %sub3A = arith.subf %add3A_33, %get3A_51 : vector<2000x32xf32>
    %mul3A_52 = arith.mulf %sub3A, %sub3A : vector<2000x32xf32>
    %reduce_sum3A = arith.constant dense<0.000000e+00> : vector<2000xf32>
    %reduce_sum3A_53 = vector.multi_reduction <add>, %mul3A_52, %reduce_sum3A [1] : vector<2000x32xf32> to vector<2000xf32>
    %broadcast_in_dim3A = vector.shape_cast %reduce_sum3A_53 : vector<2000xf32> to vector<2000x1xf32>
    %sqrt3A = math.sqrt %broadcast_in_dim3A : vector<2000x1xf32>
    %swap3A_54 = arith.constant 0 : index
    %swap3A_55 = arith.constant 0 : index
    %swap3A_56 = vector.load %arg10[%swap3A_54, %swap3A_55] : memref<2000x1xf32, #tpu.memory_space<vmem>>, vector<2000x1xf32>
    tpu.vector_store %arg10[%swap3A_54, %swap3A_55], %sqrt3A {strides = array<i32>} : memref<2000x1xf32, #tpu.memory_space<vmem>>, vector<2000x1xf32>,
    return
  }
  func.func @transform_0(%arg0: i32) -> (i32, i32, i32) {
    %c0_i32 = arith.constant 0 : i32
    %c0_i32_0 = arith.constant 0 : i32
    %c0_i32_1 = arith.constant 0 : i32
    return %c0_i32, %arg0, %c0_i32_0 : i32, i32, i32
  }
  func.func @transform_1(%arg0: i32) -> (i32, i32, i32) {
    %c0_i32 = arith.constant 0 : i32
    %c0_i32_0 = arith.constant 0 : i32
    %c0_i32_1 = arith.constant 0 : i32
    return %c0_i32, %arg0, %c0_i32_0 : i32, i32, i32
  }
  func.func @transform_2(%arg0: i32) -> (i32, i32) {
    %c0_i32 = arith.constant 0 : i32
    %c0_i32_0 = arith.constant 0 : i32
    return %arg0, %c0_i32 : i32, i32
  }
  func.func @transform_3(%arg0: i32) -> (i32, i32) {
    %c0_i32 = arith.constant 0 : i32
    %c0_i32_0 = arith.constant 0 : i32
    %c0_i32_1 = arith.constant 0 : i32
    return %c0_i32, %c0_i32_0 : i32, i32
  }
  func.func @transform_4(%arg0: i32) -> (i32, i32) {
    %c0_i32 = arith.constant 0 : i32
    %c0_i32_0 = arith.constant 0 : i32
    %c0_i32_1 = arith.constant 0 : i32
    return %c0_i32, %c0_i32_0 : i32, i32
  }
  func.func @transform_5(%arg0: i32) -> (i32, i32) {
    %c0_i32 = arith.constant 0 : i32
    %c0_i32_0 = arith.constant 0 : i32
    %c0_i32_1 = arith.constant 0 : i32
    return %c0_i32, %c0_i32_0 : i32, i32
  }
  func.func @transform_6(%arg0: i32) -> (i32, i32) {
    %c0_i32 = arith.constant 0 : i32
    %c0_i32_0 = arith.constant 0 : i32
    %c0_i32_1 = arith.constant 0 : i32
    return %c0_i32, %c0_i32_0 : i32, i32
  }
  func.func @transform_7(%arg0: i32) -> (i32, i32) {
    %c0_i32 = arith.constant 0 : i32
    %c0_i32_0 = arith.constant 0 : i32
    %c0_i32_1 = arith.constant 0 : i32
    return %c0_i32, %c0_i32_0 : i32, i32
  }
  func.func @transform_8(%arg0: i32) -> (i32, i32) {
    %c0_i32 = arith.constant 0 : i32
    %c0_i32_0 = arith.constant 0 : i32
    return %arg0, %c0_i32 : i32, i32
  }
  func.func @transform_9(%arg0: i32) -> (i32, i32) {
    %c0_i32 = arith.constant 0 : i32
    %c0_i32_0 = arith.constant 0 : i32
    return %arg0, %c0_i32 : i32, i32
  }
  func.func @transform_10(%arg0: i32) -> (i32, i32) {
    %c0_i32 = arith.constant 0 : i32
    %c0_i32_0 = arith.constant 0 : i32
    return %arg0, %c0_i32 : i32, i32
  }
}

</mosaic_0001>

<sc_bundles>
// kernel: kernel.10.cloned.1.call-start
scs
__scs_entry_jumppad:
0x0: {  	(pc) =	sbr.rel $0x88, $3  }
0x1: {  	(tag) =	ssettag $0x0;
	lr =	simm.s32 $0x1  }
0x2: {  	[smem:$0x3F97] =	sst lr;
	_ =	strace $0xD0000000  }
0x3: {  	_ = 	snop  }
0x4: {  	_ = 	snop  }
0x5: {  	_ = 	snop  }
0x6: {  	_ = 	snop  }
0x7: {  	_ = 	snop  }
__scs_overlays_trampoline_lowered:
0x8: {  	[smem:$0x3FA6] =	sst s0  }
0x9: {  	[smem:$0x3FA7] =	sst s1  }
0xa: {  	[smem:$0x3FA8] =	sst s2  }
0xb: {  	[smem:$0x3FA9] =	sst s3  }
0xc: {  	[smem:$0x3FAA] =	sst s4  }
0xd: {  	[smem:$0x3FAB] =	sst s5  }
0xe: {  	[smem:$0x3FAC] =	sst s6  }
0xf: {  	[smem:$0x3FAD] =	sst s7  }
0x10: {  	[smem:$0x3FAE] =	sst s8  }
0x11: {  	[smem:$0x3FAF] =	sst s9;
	s0 =	simm.s32 @!p0 $0x0  }
0x12: {  	s1 =	sld [smem:$0x3F95];
	s0 =	simm.s32 @p0 $0x1  }
0x13: {  	[smem:$0x3FB0] =	sst s0;
	s0 =	simm.s32 @!p1 $0x0  }
0x14: {  	s2 =	sld [smem:$0x3F94];
	s0 =	simm.s32 @p1 $0x1  }
0x15: {  	[smem:$0x3FB1] =	sst s0;
	s0 =	simm.s32 @!p2 $0x0  }
0x16: {  	s3 =	sld [smem:$0x3FDB];
	s0 =	simm.s32 @p2 $0x1  }
0x17: {  	s4 =	simm.s32 $0x1BF5;
	[smem:$0x3FB3] =	sst s0  }
0x18: {  	s0 =	sld [smem:$0x3F96];
	_ =	swait.ge [sflag:s4], $0x0  }
0x19: {  	s7 =	sld [smem:$0x3F97]  }
0x1a: {  	s8 =	sadd.s32 $0xFFFFE003, lr  }
0x1b: {  	s9 =	sadd.s32 $0xFFFFFEF7, lr;
	s5 =	simm.s32 $0xFFFFFFFF;
	p2 =	slt.u32 s8, $0xFFFFF086  }
0x1c: {  	p1 =	slt.u32 s9, $0xF7A;
	s5 =	simm.s32 @!p2 $0x0  }
0x1d: {  	s5 =	simm.s32 @p1 $0x1;
	p0 =	seq.s32 s7, s2  }
0x1e: {  	s7 =	smul.u32 @!p0 $0xF7A, s2;
	p2 =	seq.s32 @!p0 s5, $0x0  }
0x1f: {  	s9 =	smul.u32 $0xF7A, s1;
	s8 =	simm.s32 @!p0 $0x1BF5;
	p2 =	por !p2, p0  }
0x20: {  	[sflag:s8] =	ssyncset.s32 @!p0 $0xFFFFF086;
	s6 =	sadd.s32 @!p0 s3, s7;
	s7 =	simm.s32 @!p0 $0x108  }
0x21: {  	s3 =	sadd.s32 s3, s9;
	s6 =	sadd.s32 @!p0 $0x88, s6;
	s7 =	simm.s32 @p2 $0x1082  }
0x22: {  	[simem:s7], [sflag:s8] =	dma.local @!p0 [hbm:s6], $0xF7A  }
0x23: {  	s9 =	sor.u32 $0xD0000000, s2;
	s6 =	simm.s32 $0x108;
	_ =	swait.ge @!p0 [sflag:s8], $0x0  }
0x24: {  	s3 =	sadd.s32 $0x88, s3;
	s6 =	simm.s32 @!p1 $0x1082;
	[sflag:s4] =	ssyncset.s32 $0xFFFFF086  }
0x25: {  	[simem:s6], [sflag:s4] =	dma.local [hbm:s3], $0xF7A  }
0x26: {  	[smem:$0x3F97] =	sst s1;
	(tag) =	ssettag s2;
	_ =	strace s9  }
0x27: {  	s1 =	sld [smem:$0x3FA7]  }
0x28: {  	s2 =	sld [smem:$0x3FA8]  }
0x29: {  	s4 =	sld [smem:$0x3FAA]  }
0x2a: {  	p0 =	seq.s32 s5, $0x0;
	s5 =	sld [smem:$0x3FAB]  }
0x2b: {  	s6 =	sld [smem:$0x3FAC]  }
0x2c: {  	s7 =	sld [smem:$0x3FAD]  }
0x2d: {  	s3 =	simm.s32 $0x108;
	s8 =	sld [smem:$0x3FAE]  }
0x2e: {  	s3 =	simm.s32 @!p0 $0x1082;
	s9 =	sld [smem:$0x3FAF]  }
0x2f: {  	lr =	sadd.s32 s0, s3;
	s0 =	sld [smem:$0x3FA6]  }
0x30: {  	s3 =	sld [smem:$0x3FA9]  }
0x31: {  	[smem:$0x3FB2] =	sst s10  }
0x32: {  	s10 =	sld [smem:$0x3FB0];
	_ =	sdelay $0x3  }
0x33: {  	p0 =	seq.s32 s10, $0x1;
	s10 =	sld [smem:$0x3FB2];
	_ =	sdelay $0x3  }
0x34: {  	[smem:$0x3FB2] =	sst s10  }
0x35: {  	s10 =	sld [smem:$0x3FB1];
	_ =	sdelay $0x3  }
0x36: {  	p1 =	seq.s32 s10, $0x1;
	s10 =	sld [smem:$0x3FB2];
	_ =	sdelay $0x3  }
0x37: {  	[smem:$0x3FB2] =	sst s10  }
0x38: {  	s10 =	sld [smem:$0x3FB3]  }
0x39: {  	_ = 	snop;
	(pc) =	sbr.ind lr, $3  }
0x3a: {  	_ = 	snop  }
0x3b: {  	_ = 	snop  }
0x3c: {  	p2 =	seq.s32 s10, $0x1;
	s10 =	sld [smem:$0x3FB2]  }
0x3d: {  	_ =	shalt  }
0x3e: {  	_ =	shalt  }
0x3f: {  	_ =	shalt  }
0x40: {  	_ =	shalt  }
0x41: {  	_ =	shalt  }
0x42: {  	_ =	shalt  }
0x43: {  	_ =	shalt  }
0x44: {  	_ =	shalt  }
0x45: {  	_ =	shalt  }
0x46: {  	_ =	shalt  }
0x47: {  	_ =	shalt  }
0x48: {  	_ =	shalt  }
0x49: {  	_ =	shalt  }
0x4a: {  	_ =	shalt  }
0x4b: {  	_ =	shalt  }
0x4c: {  	_ =	shalt  }
0x4d: {  	_ =	shalt  }
0x4e: {  	_ =	shalt  }
0x4f: {  	_ =	shalt  }
0x50: {  	_ =	shalt  }
0x51: {  	_ =	shalt  }
0x52: {  	_ =	shalt  }
0x53: {  	_ =	shalt  }
0x54: {  	_ =	shalt  }
0x55: {  	_ =	shalt  }
0x56: {  	_ =	shalt  }
0x57: {  	_ =	shalt  }
0x58: {  	_ =	shalt  }
0x59: {  	_ =	shalt  }
0x5a: {  	_ =	shalt  }
0x5b: {  	_ =	shalt  }
0x5c: {  	_ =	shalt  }
0x5d: {  	_ =	shalt  }
0x5e: {  	_ =	shalt  }
0x5f: {  	_ =	shalt  }
0x60: {  	_ =	shalt  }
0x61: {  	_ =	shalt  }
0x62: {  	_ =	shalt  }
0x63: {  	_ =	shalt  }
0x64: {  	_ =	shalt  }
0x65: {  	_ =	shalt  }
0x66: {  	_ =	shalt  }
0x67: {  	_ =	shalt  }
0x68: {  	_ =	shalt  }
0x69: {  	_ =	shalt  }
0x6a: {  	_ =	shalt  }
0x6b: {  	_ =	shalt  }
0x6c: {  	_ =	shalt  }
0x6d: {  	_ =	shalt  }
0x6e: {  	_ =	shalt  }
0x6f: {  	_ =	shalt  }
0x70: {  	_ =	shalt  }
0x71: {  	_ =	shalt  }
0x72: {  	_ =	shalt  }
0x73: {  	_ =	shalt  }
0x74: {  	_ =	shalt  }
0x75: {  	_ =	shalt  }
0x76: {  	_ =	shalt  }
0x77: {  	_ =	shalt  }
0x78: {  	_ =	shalt  }
0x79: {  	_ =	shalt  }
0x7a: {  	_ =	shalt  }
0x7b: {  	_ =	shalt  }
0x7c: {  	_ =	shalt  }
0x7d: {  	_ =	shalt  }
0x7e: {  	_ =	shalt  }
0x7f: {  	_ =	shalt  }
0x80: {  	_ =	shalt  }
0x81: {  	_ =	shalt  }
0x82: {  	_ =	shalt  }
0x83: {  	_ =	shalt  }
0x84: {  	_ =	shalt  }
0x85: {  	_ =	shalt  }
0x86: {  	_ =	shalt  }
0x87: {  	_ =	shalt  }
.Lfunc_end0:
.L_simem_size_0:
called_computation.1_lowered:
.L_overlay_start_0:
0x88: {  	s2 =	sld [smem:$0x3FD9]  }
0x89: {  	s3 =	sld [smem:$0x3FFE];
	_ =	sdelay $0x1  }
0x8a: {  	s1 =	srdreg.scid  }
0x8b: {  	s0 =	sand.u32 $0x1, s1  }
0x8c: {  	s14 =	sshll.u32 s0, $0xA;
	s2 =	sadd.s32 s3, s2  }
0x8d: {  	s2 =	sadd.s32 s2, s14  }
0x8e: {  	[smem:$0x3FBE] =	sst s2  }
0x8f: {  	_ = 	snop  }
0x90: {  	s2 =	sld [smem:$0x3FD0];
	_ =	sdelay $0x2  }
0x91: {  	s15 =	simm.s32 $0xA;
	s4 =	simm.s32 $0x10  }
0x92: {  	[smem:s4], [sflag:s15] =	dma.local [hbm:s2], $0x1  }
0x93: {  	_ =	swait.eq [sflag:s15], $0x1  }
0x94: {  	[sflag:s15] =	ssyncset.done $0x0  }
0x95: {  	[sflag:s15] =	ssyncadd.s32 $0xFFFFFFFF  }
0x96: {  	s16 =	sld [smem:$0x10];
	(tm) =	ssettm $0x1  }
0x97: {  	s17 =	sld [smem:$0x3FFB];
	_ =	sdelay $0x3  }
0x98: {  	_ =	strace s17  }
0x99: {  	s3 =	sld [smem:$0x3FFC];
	_ =	sdelay $0x3  }
0x9a: {  	_ =	strace s3  }
0x9b: {  	s3 =	sld [smem:$0x3FFD];
	_ =	sdelay $0x3  }
0x9c: {  	_ =	strace s3  }
0x9d: {  	_ =	strace $0x8FFFFFFF  }
0x9e: {  	s18 =	sld [smem:$0x3FDB];
	_ =	sdelay $0x1  }
0x9f: {  	s19 =	simm.s32 $_scs_section_size  }
0xa0: {  	s5 =	simm.s32 $_size__tile_overlayer_lowered;
	s6 =	simm.s32 $_tile_overlayer_lowered  }
0xa1: {  	s22 =	simm.s32 $0x1BFF;
	s21 =	sshll.u32 s6, $0x1;
	s3 =	sadd.s32 s19, s18  }
0xa2: {  	s7 =	simm.s32 $0x0;
	s20 =	sshll.u32 s5, $0x1;
	s5 =	sadd.s32 s21, s3  }
0xa3: {  	[timem:s7], [sflag:s22] =	dma.local [hbm:s5], s20  }
0xa4: {  	_ =	swait.ge [sflag:s22], s20  }
0xa5: {  	s4 =	ssub.s32 $0x0, s20;
	[sflag:s22] =	ssyncset.done $0x0  }
0xa6: {  	[sflag:s22] =	ssyncadd.s32 s4;
	_ =	sdelay $0x1  }
0xa7: {  	s23 =	simm.s32 $0x1B8B  }
0xa8: {  	_ =	swait.ge [sflag:s23], $0x1  }
0xa9: {  	[sflag:s23] =	ssyncset.done $0x0  }
0xaa: {  	s25 =	simm.s32 $0x1B8E;
	s24 =	sld [smem:$0x3FFE];
	[sflag:s23] =	ssyncadd.s32 $0xFFFFFFFF  }
0xab: {  	s26 =	simm.s32 $execute0_lowered;
	[smem:$0x3FD2] =	sst s25  }
0xac: {  	s5 =	sshll.u32 s26, $0x1;
	_ =	strace $0x80000049;
	[dreg:$0x1] =	wrdreg $0xFFFFFFFF  }
0xad: {  	s28 =	simm.s32 $_size_execute0_lowered;
	s3 =	sadd.s32 s3, s5;
	[dreg:$0x0] =	wrdreg $0x0  }
0xae: {  	s5 =	sshll.u32 s28, $0x1;
	[dreg:$0x2] =	wrdreg s3  }
0xaf: {  	[dreg:$0x3] =	wrdreg s5  }
0xb0: {  	[dreg:$0x4] =	wrdreg $0xC0  }
0xb1: {  	_ =	task [dreg:s7], $0x5FFFF  }
0xb2: {  	[dreg:$0x1] =	wrdreg $0xFFFFFFFF  }
0xb3: {  	[dreg:$0x0] =	wrdreg $0x60  }
0xb4: {  	[dreg:$0x2] =	wrdreg s24  }
0xb5: {  	[dreg:$0x3] =	wrdreg s16  }
0xb6: {  	[dreg:$0x4] =	wrdreg $0xC6200  }
0xb7: {  	[dreg:$0x5] =	wrdreg $0x162600  }
0xb8: {  	[dreg:$0x6] =	wrdreg $0x9  }
0xb9: {  	_ =	task.clear_ibuf [dreg:s7], $0x7FFFF;
	_ =	strace $0x90000049  }
0xba: {  	s29 =	simm.s32 $0x9;
	_ =	strace $0x8000004B  }
0xbb: {  	_ =	swait.ge [sflag:s29], $0x1  }
0xbc: {  	[sflag:s29] =	ssyncadd.s32 $0xFFFFFFFF  }
0xbd: {  	_ =	strace $0x9000004B  }
0xbe: {  	_ =	sfence  }
0xbf: {  	s30 =	sld [smem:$0x0];
	_ =	sdelay $0x2  }
0xc0: {  	s31 =	sshll.u32 s1, $0xD;
	s1 =	sshrl.u32 s1, $0x2  }
0xc1: {  	s3 =	sand.u32 $0x4000, s31;
	s1 =	sadd.s32 s1, s30  }
0xc2: {  	s0 =	sor.u32 s3, s0;
	s1 =	sshll.u32 s1, $0x11  }
0xc3: {  	s0 =	sor.u32 s1, s0  }
0xc4: {  	s0 =	sadd.s32 $0x8F2B, s0  }
0xc5: {  	[sflag:s0] =	ssyncadd.remote.s32 $0x1  }
0xc6: {  	_ =	sfence.sel $0xFFFF  }
0xc7: {  	[dreg:$0x0] =	wrdreg $0xFFFFFFFF;
	(pc) =	sbr.abs _section_cstart, $3  }
0xc8: {  	[dreg:$0x1] =	wrdreg $0xFFFFFFFF  }
0xc9: {  	_ =	task.clear_ibuf [dreg:s7], $0x2FFFF;
	_ =	strace $0x9FFFFFFF  }
0xca: {  	(tm) =	ssettm $0x7FFFFFFF  }
0xcb: {  	_ =	shalt  }
tec
execute0_lowered:
.L_overlay_start_1:
0x0: {  	(tag) =	ssettag $0x1  }
0x1: {  	s0 =	rddreg [dreg:$0x0]  }
0x2: {  	s2 =	srdreg.scid;
	s1 =	rddreg [dreg:$0x1]  }
0x3: {  	s13 =	stileid.u32;
	s3 =	rddreg [dreg:$0x2]  }
0x4: {  	s16 =	simm.s32 $0x50;
	s17 =	simm.s32 $0x4E20;
	s18 =	simm.s32 $0x6220  }
0x5: {  	s19 =	simm.s32 $0x7620;
	s20 =	simm.s32 $0x8A20;
	s21 =	simm.s32 $0x9E20  }
0x6: {  	s22 =	simm.s32 $0xB220;
	s23 =	simm.s32 $0x1;
	s28 =	simm.s32 $0x5  }
0x7: {  	s29 =	simm.s32 $0x6;
	s30 =	simm.s32 $0x0;
	s2 =	sand.u32 $0x1, s2  }
0x8: {  	s4 =	sshll.u32 s13, $0x1;
	s8 =	smul.u32 $0x9C40, s13;
	s26 =	sshll.u32 s13, $0x6  }
0x9: {  	s13 =	simm.s32 $0x7;
	s5 =	sor.u32 s2, s4;
	s4 =	rddreg [dreg:$0x3]  }
0xa: {  	s7 =	smul.u32 $0x9C400, s2;
	s25 =	ssub.s32 $0x2, s2;
	p0 =	seq.s32 s2, $0x0  }
0xb: {  	s6 =	smul.u32 $0x2710, s5;
	s5 =	simm.s32 $0x0;
	s10 =	sshrl.u32 s8, $0x3  }
0xc: {  	s11 =	sshrl.u32 s25, $0x1;
	s12 =	sadd.s32 s8, s3;
	s31 =	sadd.s32 s8, s4  }
0xd: {  	[smem:$0x7FF] =	sst s5;
	s24 =	sadd.s32 s8, s7;
	s10 =	sadd.s32 s10, s0  }
0xe: {  	s11 =	ssub.s32 s25, s11;
	s7 =	sor.u32 $0x1C07, s26;
	s12 =	sshrl.u32 s12, $0x3  }
0xf: {  	s14 =	sshrl.u32 s31, $0x3;
	s25 =	simm.s32 $0x3;
	s26 =	simm.s32 $0x4  }
0x10: {  	_ =	strace $0x8000004A;
	s6 =	sshrl.u32 s6, $0x3;
	s11 =	smax.u32 s11, $0x1  }
0x11: {  	s9 =	sadd.s32 s6, s0;
	s6 =	sshrl.u32 s24, $0x3;
	s24 =	simm.s32 $0x2  }
0x12: {  	s0 =	sadd.s32 s6, s0;
	s6 =	sadd.s32 $0x3DC00, s10;
	s8 =	sadd.s32 $0x3000, s9  }
0x13: {  	s9 =	sadd.s32 $0xCC40, s9;
	s10 =	sadd.s32 $0xB3000, s0;
	s1 =	smov.u32 @p0 s6  }
.LBB2_1:
0x14: {  	[spmem:s12], [sflag:s7] =	dma.local [hbm:s6], $0x1388  }
0x15: {  	_ =	swait.ge [sflag:s13], $0x1388  }
0x16: {  	[sflag:s13] =	ssyncset.done $0x0  }
0x17: {  	[sflag:s13] =	ssyncadd.s32 $0xFFFFEC78  }
0x18: {  	[spmem:s14], [sflag:s7] =	dma.local [hbm:s1], $0x1388  }
0x19: {  	_ =	swait.ge [sflag:s13], $0x1388  }
0x1a: {  	[sflag:s13] =	ssyncset.done $0x0  }
0x1b: {  	[sflag:s13] =	ssyncadd.s32 $0xFFFFEC78  }
0x1c: {  	[tilespmem:s5], [sflag:$0x7] =	stream.linear.gather [hbm4b:s8+s5], $0x2710, $0x38;
	[tilespmem:$0x1FEA0] =	vst v63  }
0x1d: {  	_ =	swait.ge [sflag:s13], $0x2710  }
0x1e: {  	[sflag:s13] =	ssyncset.done $0x0  }
0x1f: {  	s0 =	simm.s32 $0x2710;
	[sflag:s13] =	ssyncadd.s32 $0xFFFFD8F0  }
0x20: {  	[tilespmem:s0], [sflag:$0x7] =	stream.linear.gather [hbm4b:s9+s5], $0x2710, $0x38;
	[tilespmem:$0x1FEA0] =	vst v63  }
0x21: {  	_ =	swait.ge [sflag:s13], $0x2710  }
0x22: {  	[sflag:s13] =	ssyncset.done $0x0  }
0x23: {  	[sflag:s13] =	ssyncadd.s32 $0xFFFFD8F0  }
0x24: {  	s2 =	simm.s32 $0x0;
	[bflag:$0x0] =	sbarrier.arrive $0xFFFF  }
0x25: {  	[tilespmem:s17], [sflag:$0x1] =	stream.indirect.gather [spmem:s3], $0x40, s2, s16, $0xb8;
	[tilespmem:$0x1FEA0] =	vst v63  }
0x26: {  	s15 =	simm.s32 $0x50  }
0x27: {  	[tilespmem:s18], [sflag:$0x2] =	stream.indirect.gather [spmem:s3], $0x40, s15, s16, $0xb8;
	[tilespmem:$0x1FEA0] =	vst v63  }
0x28: {  	s2 =	simm.s32 $0xA0  }
0x29: {  	[tilespmem:s19], [sflag:$0x3] =	stream.indirect.gather [spmem:s3], $0x40, s2, s16, $0xb8;
	[tilespmem:$0x1FEA0] =	vst v63  }
0x2a: {  	s15 =	simm.s32 $0xF0  }
0x2b: {  	[tilespmem:s20], [sflag:$0x4] =	stream.indirect.gather [spmem:s3], $0x40, s15, s16, $0xb8;
	[tilespmem:$0x1FEA0] =	vst v63  }
0x2c: {  	s2 =	simm.s32 $0x140  }
0x2d: {  	[tilespmem:s21], [sflag:$0x5] =	stream.indirect.gather [spmem:s3], $0x40, s2, s16, $0xb8;
	[tilespmem:$0x1FEA0] =	vst v63  }
0x2e: {  	s15 =	simm.s32 $0x190  }
0x2f: {  	[tilespmem:s22], [sflag:$0x6] =	stream.indirect.gather [spmem:s3], $0x40, s15, s16, $0xb8;
	[tilespmem:$0x1FEA0] =	vst v63  }
0x30: {  	_ =	swait.ge [sflag:s23], $0x1400  }
0x31: {  	[sflag:s23] =	ssyncset.done $0x0  }
0x32: {  	s2 =	simm.s32 $0x2710;
	[sflag:s23] =	ssyncadd.s32 $0xFFFFEC00  }
0x33: {  	[spmem:s4] =	stream.indirect.scatter.add.f32 [tilespmem:s17], [sflag:$0x7], $0x40, s2, s16, $0xb8;
	[tilespmem:$0x1FEA0] =	vst v63  }
0x34: {  	_ =	swait.ge [sflag:s13], $0x1400  }
0x35: {  	[sflag:s13] =	ssyncset.done $0x0  }
0x36: {  	[sflag:s13] =	ssyncadd.s32 $0xFFFFEC00  }
0x37: {  	_ =	swait.ge [sflag:s24], $0x1400  }
0x38: {  	[sflag:s24] =	ssyncset.done $0x0  }
0x39: {  	s15 =	simm.s32 $0x2760;
	[sflag:s24] =	ssyncadd.s32 $0xFFFFEC00  }
0x3a: {  	[spmem:s4] =	stream.indirect.scatter.add.f32 [tilespmem:s18], [sflag:$0x7], $0x40, s15, s16, $0xb8;
	[tilespmem:$0x1FEA0] =	vst v63  }
0x3b: {  	_ =	swait.ge [sflag:s13], $0x1400  }
0x3c: {  	[sflag:s13] =	ssyncset.done $0x0  }
0x3d: {  	[sflag:s13] =	ssyncadd.s32 $0xFFFFEC00  }
0x3e: {  	_ =	swait.ge [sflag:s25], $0x1400  }
0x3f: {  	[sflag:s25] =	ssyncset.done $0x0  }
0x40: {  	s2 =	simm.s32 $0x27B0;
	[sflag:s25] =	ssyncadd.s32 $0xFFFFEC00  }
0x41: {  	[spmem:s4] =	stream.indirect.scatter.add.f32 [tilespmem:s19], [sflag:$0x7], $0x40, s2, s16, $0xb8;
	[tilespmem:$0x1FEA0] =	vst v63  }
0x42: {  	_ =	swait.ge [sflag:s13], $0x1400  }
0x43: {  	[sflag:s13] =	ssyncset.done $0x0  }
0x44: {  	[sflag:s13] =	ssyncadd.s32 $0xFFFFEC00  }
0x45: {  	_ =	swait.ge [sflag:s26], $0x1400  }
0x46: {  	[sflag:s26] =	ssyncset.done $0x0  }
0x47: {  	s15 =	simm.s32 $0x2800;
	[sflag:s26] =	ssyncadd.s32 $0xFFFFEC00  }
0x48: {  	[spmem:s4] =	stream.indirect.scatter.add.f32 [tilespmem:s20], [sflag:$0x7], $0x40, s15, s16, $0xb8;
	[tilespmem:$0x1FEA0] =	vst v63  }
0x49: {  	_ =	swait.ge [sflag:s13], $0x1400  }
0x4a: {  	[sflag:s13] =	ssyncset.done $0x0  }
0x4b: {  	[sflag:s13] =	ssyncadd.s32 $0xFFFFEC00  }
0x4c: {  	_ =	swait.ge [sflag:s28], $0x1400  }
0x4d: {  	[sflag:s28] =	ssyncset.done $0x0  }
0x4e: {  	s2 =	simm.s32 $0x2850;
	[sflag:s28] =	ssyncadd.s32 $0xFFFFEC00  }
0x4f: {  	[spmem:s4] =	stream.indirect.scatter.add.f32 [tilespmem:s21], [sflag:$0x7], $0x40, s2, s16, $0xb8;
	[tilespmem:$0x1FEA0] =	vst v63  }
0x50: {  	_ =	swait.ge [sflag:s13], $0x1400  }
0x51: {  	[sflag:s13] =	ssyncset.done $0x0  }
0x52: {  	[sflag:s13] =	ssyncadd.s32 $0xFFFFEC00  }
0x53: {  	_ =	swait.ge [sflag:s29], $0x1400  }
0x54: {  	[sflag:s29] =	ssyncset.done $0x0  }
0x55: {  	s15 =	simm.s32 $0x28A0;
	[sflag:s29] =	ssyncadd.s32 $0xFFFFEC00  }
0x56: {  	[spmem:s4] =	stream.indirect.scatter.add.f32 [tilespmem:s22], [sflag:$0x7], $0x40, s15, s16, $0xb8;
	[tilespmem:$0x1FEA0] =	vst v63  }
0x57: {  	_ =	swait.ge [sflag:s13], $0x1400  }
0x58: {  	s31 =	simm.s32 $0x780;
	s2 =	simm.s32 $0xF00;
	[sflag:s13] =	ssyncset.done $0x0  }
.LBB2_2:
0x59: {  	s0 =	sshra.s32 s31, $0x2  }
0x5a: {  	[sflag:s13] =	ssyncadd.s32 $0xFFFFEC00;
	s31 =	smov.u32 s2;
	s15 =	sadd.s32 $0x780, s2  }
0x5b: {  	[tilespmem:s17], [sflag:$0x1] =	stream.indirect.gather [spmem:s3], $0x40, s0, s16, $0xb8;
	[tilespmem:$0x1FEA0] =	vst v63  }
0x5c: {  	p0 =	sne.s32 s2, $0x8E80;
	s2 =	sadd.s32 $0x50, s0  }
0x5d: {  	[tilespmem:s18], [sflag:$0x2] =	stream.indirect.gather [spmem:s3], $0x40, s2, s16, $0xb8;
	[tilespmem:$0x1FEA0] =	vst v63  }
0x5e: {  	s2 =	sadd.s32 $0xA0, s0  }
0x5f: {  	[tilespmem:s19], [sflag:$0x3] =	stream.indirect.gather [spmem:s3], $0x40, s2, s16, $0xb8;
	[tilespmem:$0x1FEA0] =	vst v63  }
0x60: {  	s2 =	sadd.s32 $0xF0, s0  }
0x61: {  	[tilespmem:s20], [sflag:$0x4] =	stream.indirect.gather [spmem:s3], $0x40, s2, s16, $0xb8;
	[tilespmem:$0x1FEA0] =	vst v63  }
0x62: {  	s2 =	sadd.s32 $0x140, s0  }
0x63: {  	[tilespmem:s21], [sflag:$0x5] =	stream.indirect.gather [spmem:s3], $0x40, s2, s16, $0xb8;
	[tilespmem:$0x1FEA0] =	vst v63  }
0x64: {  	s2 =	sadd.s32 $0x190, s0  }
0x65: {  	[tilespmem:s22], [sflag:$0x6] =	stream.indirect.gather [spmem:s3], $0x40, s2, s16, $0xb8;
	[tilespmem:$0x1FEA0] =	vst v63  }
0x66: {  	_ =	swait.ge [sflag:s23], $0x1400  }
0x67: {  	[sflag:s23] =	ssyncset.done $0x0  }
0x68: {  	s2 =	sadd.s32 $0x2710, s0;
	[sflag:s23] =	ssyncadd.s32 $0xFFFFEC00  }
0x69: {  	[spmem:s4] =	stream.indirect.scatter.add.f32 [tilespmem:s17], [sflag:$0x7], $0x40, s2, s16, $0xb8;
	[tilespmem:$0x1FEA0] =	vst v63  }
0x6a: {  	_ =	swait.ge [sflag:s13], $0x1400  }
0x6b: {  	[sflag:s13] =	ssyncset.done $0x0  }
0x6c: {  	[sflag:s13] =	ssyncadd.s32 $0xFFFFEC00  }
0x6d: {  	_ =	swait.ge [sflag:s24], $0x1400  }
0x6e: {  	[sflag:s24] =	ssyncset.done $0x0  }
0x6f: {  	s2 =	sadd.s32 $0x2760, s0;
	[sflag:s24] =	ssyncadd.s32 $0xFFFFEC00  }
0x70: {  	[spmem:s4] =	stream.indirect.scatter.add.f32 [tilespmem:s18], [sflag:$0x7], $0x40, s2, s16, $0xb8;
	[tilespmem:$0x1FEA0] =	vst v63  }
0x71: {  	_ =	swait.ge [sflag:s13], $0x1400  }
0x72: {  	[sflag:s13] =	ssyncset.done $0x0  }
0x73: {  	[sflag:s13] =	ssyncadd.s32 $0xFFFFEC00  }
0x74: {  	_ =	swait.ge [sflag:s25], $0x1400  }
0x75: {  	[sflag:s25] =	ssyncset.done $0x0  }
0x76: {  	s2 =	sadd.s32 $0x27B0, s0;
	[sflag:s25] =	ssyncadd.s32 $0xFFFFEC00  }
0x77: {  	[spmem:s4] =	stream.indirect.scatter.add.f32 [tilespmem:s19], [sflag:$0x7], $0x40, s2, s16, $0xb8;
	[tilespmem:$0x1FEA0] =	vst v63  }
0x78: {  	_ =	swait.ge [sflag:s13], $0x1400  }
0x79: {  	[sflag:s13] =	ssyncset.done $0x0  }
0x7a: {  	[sflag:s13] =	ssyncadd.s32 $0xFFFFEC00  }
0x7b: {  	_ =	swait.ge [sflag:s26], $0x1400  }
0x7c: {  	[sflag:s26] =	ssyncset.done $0x0  }
0x7d: {  	s2 =	sadd.s32 $0x2800, s0;
	[sflag:s26] =	ssyncadd.s32 $0xFFFFEC00  }
0x7e: {  	[spmem:s4] =	stream.indirect.scatter.add.f32 [tilespmem:s20], [sflag:$0x7], $0x40, s2, s16, $0xb8;
	[tilespmem:$0x1FEA0] =	vst v63  }
0x7f: {  	_ =	swait.ge [sflag:s13], $0x1400  }
0x80: {  	[sflag:s13] =	ssyncset.done $0x0  }
0x81: {  	[sflag:s13] =	ssyncadd.s32 $0xFFFFEC00  }
0x82: {  	_ =	swait.ge [sflag:s28], $0x1400  }
0x83: {  	[sflag:s28] =	ssyncset.done $0x0  }
0x84: {  	s2 =	sadd.s32 $0x2850, s0;
	[sflag:s28] =	ssyncadd.s32 $0xFFFFEC00  }
0x85: {  	[spmem:s4] =	stream.indirect.scatter.add.f32 [tilespmem:s21], [sflag:$0x7], $0x40, s2, s16, $0xb8;
	[tilespmem:$0x1FEA0] =	vst v63  }
0x86: {  	_ =	swait.ge [sflag:s13], $0x1400  }
0x87: {  	[sflag:s13] =	ssyncset.done $0x0  }
0x88: {  	[sflag:s13] =	ssyncadd.s32 $0xFFFFEC00  }
0x89: {  	_ =	swait.ge [sflag:s29], $0x1400  }
.Ltmp0:
0x8a: {  	[sflag:s29] =	ssyncset.done $0x0;
	(pc) =	sbr.rel @p0 .LBB2_2-.Ltmp0, $4  }
0x8b: {  	s0 =	sadd.s32 $0x28A0, s0;
	[sflag:s29] =	ssyncadd.s32 $0xFFFFEC00  }
0x8c: {  	[spmem:s4] =	stream.indirect.scatter.add.f32 [tilespmem:s22], [sflag:$0x7], $0x40, s0, s16, $0xb8;
	[tilespmem:$0x1FEA0] =	vst v63  }
0x8d: {  	_ =	swait.ge [sflag:s13], $0x1400  }
0x8e: {  	s2 =	smov.u32 s15;
	[sflag:s13] =	ssyncset.done $0x0  }
0x8f: {  	s0 =	sshra.s32 s31, $0x2;
	[sflag:s13] =	ssyncadd.s32 $0xFFFFEC00  }
0x90: {  	[tilespmem:s17], [sflag:$0x1] =	stream.indirect.gather [spmem:s3], $0x40, s0, s16, $0xb8;
	[tilespmem:$0x1FEA0] =	vst v63  }
0x91: {  	s2 =	sadd.s32 $0x50, s0  }
0x92: {  	[tilespmem:s18], [sflag:$0x2] =	stream.indirect.gather [spmem:s3], $0x40, s2, s16, $0xb8;
	[tilespmem:$0x1FEA0] =	vst v63  }
0x93: {  	s15 =	sadd.s32 $0xA0, s0  }
0x94: {  	[tilespmem:s19], [sflag:$0x3] =	stream.indirect.gather [spmem:s3], $0x40, s15, s16, $0xb8;
	[tilespmem:$0x1FEA0] =	vst v63  }
0x95: {  	s31 =	sadd.s32 $0xF0, s0  }
0x96: {  	[tilespmem:s20], [sflag:$0x4] =	stream.indirect.gather [spmem:s3], $0x40, s31, s16, $0xb8;
	[tilespmem:$0x1FEA0] =	vst v63  }
0x97: {  	s15 =	sadd.s32 $0x140, s0  }
0x98: {  	[tilespmem:s21], [sflag:$0x5] =	stream.indirect.gather [spmem:s3], $0x40, s15, s16, $0xb8;
	[tilespmem:$0x1FEA0] =	vst v63  }
0x99: {  	s31 =	sadd.s32 $0x190, s0  }
0x9a: {  	[tilespmem:s22], [sflag:$0x6] =	stream.indirect.gather [spmem:s3], $0x40, s31, s16, $0xb8;
	[tilespmem:$0x1FEA0] =	vst v63  }
0x9b: {  	_ =	swait.ge [sflag:s23], $0x1400  }
0x9c: {  	[sflag:s23] =	ssyncset.done $0x0  }
0x9d: {  	s15 =	sadd.s32 $0x2710, s0;
	[sflag:s23] =	ssyncadd.s32 $0xFFFFEC00  }
0x9e: {  	[spmem:s4] =	stream.indirect.scatter.add.f32 [tilespmem:s17], [sflag:$0x7], $0x40, s15, s16, $0xb8;
	[tilespmem:$0x1FEA0] =	vst v63  }
0x9f: {  	_ =	swait.ge [sflag:s13], $0x1400  }
0xa0: {  	[sflag:s13] =	ssyncset.done $0x0  }
0xa1: {  	[sflag:s13] =	ssyncadd.s32 $0xFFFFEC00  }
0xa2: {  	_ =	swait.ge [sflag:s24], $0x1400  }
0xa3: {  	[sflag:s24] =	ssyncset.done $0x0  }
0xa4: {  	s31 =	sadd.s32 $0x2760, s0;
	[sflag:s24] =	ssyncadd.s32 $0xFFFFEC00  }
0xa5: {  	[spmem:s4] =	stream.indirect.scatter.add.f32 [tilespmem:s18], [sflag:$0x7], $0x40, s31, s16, $0xb8;
	[tilespmem:$0x1FEA0] =	vst v63  }
0xa6: {  	_ =	swait.ge [sflag:s13], $0x1400  }
0xa7: {  	[sflag:s13] =	ssyncset.done $0x0  }
0xa8: {  	[sflag:s13] =	ssyncadd.s32 $0xFFFFEC00  }
0xa9: {  	_ =	swait.ge [sflag:s25], $0x1400  }
0xaa: {  	[sflag:s25] =	ssyncset.done $0x0  }
0xab: {  	s15 =	sadd.s32 $0x27B0, s0;
	[sflag:s25] =	ssyncadd.s32 $0xFFFFEC00  }
0xac: {  	[spmem:s4] =	stream.indirect.scatter.add.f32 [tilespmem:s19], [sflag:$0x7], $0x40, s15, s16, $0xb8;
	[tilespmem:$0x1FEA0] =	vst v63  }
0xad: {  	_ =	swait.ge [sflag:s13], $0x1400  }
0xae: {  	[sflag:s13] =	ssyncset.done $0x0  }
0xaf: {  	[sflag:s13] =	ssyncadd.s32 $0xFFFFEC00  }
0xb0: {  	_ =	swait.ge [sflag:s26], $0x1400  }
0xb1: {  	[sflag:s26] =	ssyncset.done $0x0  }
0xb2: {  	s31 =	sadd.s32 $0x2800, s0;
	[sflag:s26] =	ssyncadd.s32 $0xFFFFEC00  }
0xb3: {  	[spmem:s4] =	stream.indirect.scatter.add.f32 [tilespmem:s20], [sflag:$0x7], $0x40, s31, s16, $0xb8;
	[tilespmem:$0x1FEA0] =	vst v63  }
0xb4: {  	_ =	swait.ge [sflag:s13], $0x1400  }
0xb5: {  	[sflag:s13] =	ssyncset.done $0x0  }
0xb6: {  	[sflag:s13] =	ssyncadd.s32 $0xFFFFEC00  }
0xb7: {  	_ =	swait.ge [sflag:s28], $0x1400  }
0xb8: {  	[sflag:s28] =	ssyncset.done $0x0  }
0xb9: {  	s15 =	sadd.s32 $0x2850, s0;
	[sflag:s28] =	ssyncadd.s32 $0xFFFFEC00  }
0xba: {  	[spmem:s4] =	stream.indirect.scatter.add.f32 [tilespmem:s21], [sflag:$0x7], $0x40, s15, s16, $0xb8;
	[tilespmem:$0x1FEA0] =	vst v63  }
0xbb: {  	_ =	swait.ge [sflag:s13], $0x1400  }
0xbc: {  	[sflag:s13] =	ssyncset.done $0x0  }
0xbd: {  	[sflag:s13] =	ssyncadd.s32 $0xFFFFEC00  }
0xbe: {  	_ =	swait.ge [sflag:s29], $0x1400  }
0xbf: {  	[sflag:s29] =	ssyncset.done $0x0  }
0xc0: {  	s0 =	sadd.s32 $0x28A0, s0;
	[sflag:s29] =	ssyncadd.s32 $0xFFFFEC00  }
0xc1: {  	[spmem:s4] =	stream.indirect.scatter.add.f32 [tilespmem:s22], [sflag:$0x7], $0x40, s0, s16, $0xb8;
	[tilespmem:$0x1FEA0] =	vst v63  }
0xc2: {  	_ =	swait.ge [sflag:s13], $0x1400  }
0xc3: {  	[sflag:s13] =	ssyncset.done $0x0  }
0xc4: {  	s31 =	simm.s32 $0x2580;
	[sflag:s13] =	ssyncadd.s32 $0xFFFFEC00  }
0xc5: {  	[tilespmem:s17], [sflag:$0x1] =	stream.indirect.gather [spmem:s3], $0x40, s31, s16, $0xb8;
	[tilespmem:$0x1FEA0] =	vst v63  }
0xc6: {  	s2 =	simm.s32 $0x25D0  }
0xc7: {  	[tilespmem:s18], [sflag:$0x2] =	stream.indirect.gather [spmem:s3], $0x40, s2, s16, $0xb8;
	[tilespmem:$0x1FEA0] =	vst v63  }
0xc8: {  	s15 =	simm.s32 $0x2620  }
0xc9: {  	[tilespmem:s19], [sflag:$0x3] =	stream.indirect.gather [spmem:s3], $0x40, s15, s16, $0xb8;
	[tilespmem:$0x1FEA0] =	vst v63  }
0xca: {  	s31 =	simm.s32 $0x2670  }
0xcb: {  	[tilespmem:s20], [sflag:$0x4] =	stream.indirect.gather [spmem:s3], $0x40, s31, s16, $0xb8;
	[tilespmem:$0x1FEA0] =	vst v63  }
0xcc: {  	s2 =	simm.s32 $0x26C0  }
0xcd: {  	[tilespmem:s21], [sflag:$0x5] =	stream.indirect.gather [spmem:s3], $0x40, s2, s16, $0xb8;
	[tilespmem:$0x1FEA0] =	vst v63  }
0xce: {  	_ =	swait.ge [sflag:s23], $0x1400  }
0xcf: {  	[sflag:s23] =	ssyncset.done $0x0  }
0xd0: {  	s15 =	simm.s32 $0x4C90;
	[sflag:s23] =	ssyncadd.s32 $0xFFFFEC00  }
0xd1: {  	[spmem:s4] =	stream.indirect.scatter.add.f32 [tilespmem:s17], [sflag:$0x7], $0x40, s15, s16, $0xb8;
	[tilespmem:$0x1FEA0] =	vst v63  }
0xd2: {  	_ =	swait.ge [sflag:s13], $0x1400  }
0xd3: {  	[sflag:s13] =	ssyncset.done $0x0  }
0xd4: {  	[sflag:s13] =	ssyncadd.s32 $0xFFFFEC00  }
0xd5: {  	_ =	swait.ge [sflag:s24], $0x1400  }
0xd6: {  	[sflag:s24] =	ssyncset.done $0x0  }
0xd7: {  	s31 =	simm.s32 $0x4CE0;
	[sflag:s24] =	ssyncadd.s32 $0xFFFFEC00  }
0xd8: {  	[spmem:s4] =	stream.indirect.scatter.add.f32 [tilespmem:s18], [sflag:$0x7], $0x40, s31, s16, $0xb8;
	[tilespmem:$0x1FEA0] =	vst v63  }
0xd9: {  	_ =	swait.ge [sflag:s13], $0x1400  }
0xda: {  	[sflag:s13] =	ssyncset.done $0x0  }
0xdb: {  	[sflag:s13] =	ssyncadd.s32 $0xFFFFEC00  }
0xdc: {  	_ =	swait.ge [sflag:s25], $0x1400  }
0xdd: {  	[sflag:s25] =	ssyncset.done $0x0  }
0xde: {  	s2 =	simm.s32 $0x4D30;
	[sflag:s25] =	ssyncadd.s32 $0xFFFFEC00  }
0xdf: {  	[spmem:s4] =	stream.indirect.scatter.add.f32 [tilespmem:s19], [sflag:$0x7], $0x40, s2, s16, $0xb8;
	[tilespmem:$0x1FEA0] =	vst v63  }
0xe0: {  	_ =	swait.ge [sflag:s13], $0x1400  }
0xe1: {  	[sflag:s13] =	ssyncset.done $0x0  }
0xe2: {  	[sflag:s13] =	ssyncadd.s32 $0xFFFFEC00  }
0xe3: {  	_ =	swait.ge [sflag:s26], $0x1400  }
0xe4: {  	[sflag:s26] =	ssyncset.done $0x0  }
0xe5: {  	s15 =	simm.s32 $0x4D80;
	[sflag:s26] =	ssyncadd.s32 $0xFFFFEC00  }
0xe6: {  	[spmem:s4] =	stream.indirect.scatter.add.f32 [tilespmem:s20], [sflag:$0x7], $0x40, s15, s16, $0xb8;
	[tilespmem:$0x1FEA0] =	vst v63  }
0xe7: {  	_ =	swait.ge [sflag:s13], $0x1400  }
0xe8: {  	[sflag:s13] =	ssyncset.done $0x0  }
0xe9: {  	[sflag:s13] =	ssyncadd.s32 $0xFFFFEC00  }
0xea: {  	_ =	swait.ge [sflag:s28], $0x1400  }
0xeb: {  	[sflag:s28] =	ssyncset.done $0x0  }
0xec: {  	s31 =	simm.s32 $0x4DD0;
	[sflag:s28] =	ssyncadd.s32 $0xFFFFEC00  }
0xed: {  	[spmem:s4] =	stream.indirect.scatter.add.f32 [tilespmem:s21], [sflag:$0x7], $0x40, s31, s16, $0xb8;
	[tilespmem:$0x1FEA0] =	vst v63  }
0xee: {  	_ =	swait.ge [sflag:s13], $0x1400  }
0xef: {  	s30 =	sadd.s32 $0x1, s30;
	[sflag:s13] =	ssyncset.done $0x0  }
0xf0: {  	p0 =	sne.s32 s30, s11;
	[sflag:s13] =	ssyncadd.s32 $0xFFFFEC00  }
.Ltmp1:
0xf1: {  	[bflag:$0x0] =	sbarrier.arrive $0xFFFF;
	(pc) =	sbr.rel @p0 .LBB2_1-.Ltmp1, $4  }
0xf2: {  	[hbm:s10], [sflag:s7] =	dma.local [spmem:s14], $0x1388  }
0xf3: {  	_ =	swait.ge [sflag:s13], $0x1388  }
0xf4: {  	[sflag:s13] =	ssyncset.done $0x0  }
0xf5: {  	[sflag:s13] =	ssyncadd.s32 $0xFFFFEC78  }
0xf6: {  	_ =	sfence.sel $0x180000  }
0xf7: {  	[bflag:$0x0] =	sbarrier.arrive $0xFFFF  }
0xf8: {  	_ =	strace $0x9000004A  }
0xf9: {  	s0 =	stileid.u32;
	[bflag:$0x2] =	sbarrier.arrive $0xFFFF  }
0xfa: {  	p0 =	sne.s32 s0, $0x0;
	s0 =	rddreg [dreg:$0x4]  }
0xfb: {  	s0 =	sadd.s32 @!p0 $0x100000, s0  }
0xfc: {  	[sflag:s0] =	ssyncadd.tile.s32 @!p0 $0x1;
	_ =	shalt  }
.Lfunc_end2:
_tile_overlayer_lowered:
.L_overlay_start_2:
0xfd: {  	(tag) =	ssettag $0x2  }
0xfe: {  	s0 =	rddreg [dreg:$0x0];
	s2 =	stileid.u32  }
0xff: {  	s1 =	rddreg [dreg:$0x1];
	p0 =	sne.s32 s2, $0x0  }
0x100: {  	s3 =	rddreg [dreg:$0x2];
	[bflag:$0x3] =	sbarrier.arrive $0xFFFF;
	s2 =	simm.s32 @!p0 $0x1C07  }
0x101: {  	[timem:s3], [sflag:s2] =	dma.local @!p0 [hbm:s0], s1  }
0x102: {  	s0 =	simm.s32 @!p0 $0x7  }
0x103: {  	_ =	swait.ge @!p0 [sflag:s0], s1  }
0x104: {  	s1 =	ssub.s32 @!p0 $0x0, s1;
	[sflag:s0] =	ssyncset.done @!p0 $0x0  }
0x105: {  	[sflag:s0] =	ssyncadd.s32 @!p0 s1  }
0x106: {  	[bflag:$0x3] =	sbarrier.arrive $0xFFFF  }
0x107: {  	_ =	shalt  }

// kernel: kernel.7.cloned.1.call-start
scs
__scs_entry_jumppad:
0x0: {  	(pc) =	sbr.rel $0x88, $3  }
0x1: {  	(tag) =	ssettag $0x0;
	lr =	simm.s32 $0x1  }
0x2: {  	[smem:$0x3F97] =	sst lr;
	_ =	strace $0xD0000000  }
0x3: {  	_ = 	snop  }
0x4: {  	_ = 	snop  }
0x5: {  	_ = 	snop  }
0x6: {  	_ = 	snop  }
0x7: {  	_ = 	snop  }
__scs_overlays_trampoline_lowered:
0x8: {  	[smem:$0x3FA6] =	sst s0  }
0x9: {  	[smem:$0x3FA7] =	sst s1  }
0xa: {  	[smem:$0x3FA8] =	sst s2  }
0xb: {  	[smem:$0x3FA9] =	sst s3  }
0xc: {  	[smem:$0x3FAA] =	sst s4  }
0xd: {  	[smem:$0x3FAB] =	sst s5  }
0xe: {  	[smem:$0x3FAC] =	sst s6  }
0xf: {  	[smem:$0x3FAD] =	sst s7  }
0x10: {  	[smem:$0x3FAE] =	sst s8  }
0x11: {  	[smem:$0x3FAF] =	sst s9;
	s0 =	simm.s32 @!p0 $0x0  }
0x12: {  	s1 =	sld [smem:$0x3F95];
	s0 =	simm.s32 @p0 $0x1  }
0x13: {  	[smem:$0x3FB0] =	sst s0;
	s0 =	simm.s32 @!p1 $0x0  }
0x14: {  	s2 =	sld [smem:$0x3F94];
	s0 =	simm.s32 @p1 $0x1  }
0x15: {  	[smem:$0x3FB1] =	sst s0;
	s0 =	simm.s32 @!p2 $0x0  }
0x16: {  	s3 =	sld [smem:$0x3FDB];
	s0 =	simm.s32 @p2 $0x1  }
0x17: {  	s4 =	simm.s32 $0x1BF5;
	[smem:$0x3FB3] =	sst s0  }
0x18: {  	s0 =	sld [smem:$0x3F96];
	_ =	swait.ge [sflag:s4], $0x0  }
0x19: {  	s7 =	sld [smem:$0x3F97]  }
0x1a: {  	s8 =	sadd.s32 $0xFFFFE003, lr  }
0x1b: {  	s9 =	sadd.s32 $0xFFFFFEF7, lr;
	s5 =	simm.s32 $0xFFFFFFFF;
	p2 =	slt.u32 s8, $0xFFFFF086  }
0x1c: {  	p1 =	slt.u32 s9, $0xF7A;
	s5 =	simm.s32 @!p2 $0x0  }
0x1d: {  	s5 =	simm.s32 @p1 $0x1;
	p0 =	seq.s32 s7, s2  }
0x1e: {  	s7 =	smul.u32 @!p0 $0xF7A, s2;
	p2 =	seq.s32 @!p0 s5, $0x0  }
0x1f: {  	s9 =	smul.u32 $0xF7A, s1;
	s8 =	simm.s32 @!p0 $0x1BF5;
	p2 =	por !p2, p0  }
0x20: {  	[sflag:s8] =	ssyncset.s32 @!p0 $0xFFFFF086;
	s6 =	sadd.s32 @!p0 s3, s7;
	s7 =	simm.s32 @!p0 $0x108  }
0x21: {  	s3 =	sadd.s32 s3, s9;
	s6 =	sadd.s32 @!p0 $0x88, s6;
	s7 =	simm.s32 @p2 $0x1082  }
0x22: {  	[simem:s7], [sflag:s8] =	dma.local @!p0 [hbm:s6], $0xF7A  }
0x23: {  	s9 =	sor.u32 $0xD0000000, s2;
	s6 =	simm.s32 $0x108;
	_ =	swait.ge @!p0 [sflag:s8], $0x0  }
0x24: {  	s3 =	sadd.s32 $0x88, s3;
	s6 =	simm.s32 @!p1 $0x1082;
	[sflag:s4] =	ssyncset.s32 $0xFFFFF086  }
0x25: {  	[simem:s6], [sflag:s4] =	dma.local [hbm:s3], $0xF7A  }
0x26: {  	[smem:$0x3F97] =	sst s1;
	(tag) =	ssettag s2;
	_ =	strace s9  }
0x27: {  	s1 =	sld [smem:$0x3FA7]  }
0x28: {  	s2 =	sld [smem:$0x3FA8]  }
0x29: {  	s4 =	sld [smem:$0x3FAA]  }
0x2a: {  	p0 =	seq.s32 s5, $0x0;
	s5 =	sld [smem:$0x3FAB]  }
0x2b: {  	s6 =	sld [smem:$0x3FAC]  }
0x2c: {  	s7 =	sld [smem:$0x3FAD]  }
0x2d: {  	s3 =	simm.s32 $0x108;
	s8 =	sld [smem:$0x3FAE]  }
0x2e: {  	s3 =	simm.s32 @!p0 $0x1082;
	s9 =	sld [smem:$0x3FAF]  }
0x2f: {  	lr =	sadd.s32 s0, s3;
	s0 =	sld [smem:$0x3FA6]  }
0x30: {  	s3 =	sld [smem:$0x3FA9]  }
0x31: {  	[smem:$0x3FB2] =	sst s10  }
0x32: {  	s10 =	sld [smem:$0x3FB0];
	_ =	sdelay $0x3  }
0x33: {  	p0 =	seq.s32 s10, $0x1;
	s10 =	sld [smem:$0x3FB2];
	_ =	sdelay $0x3  }
0x34: {  	[smem:$0x3FB2] =	sst s10  }
0x35: {  	s10 =	sld [smem:$0x3FB1];
	_ =	sdelay $0x3  }
0x36: {  	p1 =	seq.s32 s10, $0x1;
	s10 =	sld [smem:$0x3FB2];
	_ =	sdelay $0x3  }
0x37: {  	[smem:$0x3FB2] =	sst s10  }
0x38: {  	s10 =	sld [smem:$0x3FB3]  }
0x39: {  	_ = 	snop;
	(pc) =	sbr.ind lr, $3  }
0x3a: {  	_ = 	snop  }
0x3b: {  	_ = 	snop  }
0x3c: {  	p2 =	seq.s32 s10, $0x1;
	s10 =	sld [smem:$0x3FB2]  }
0x3d: {  	_ =	shalt  }
0x3e: {  	_ =	shalt  }
0x3f: {  	_ =	shalt  }
0x40: {  	_ =	shalt  }
0x41: {  	_ =	shalt  }
0x42: {  	_ =	shalt  }
0x43: {  	_ =	shalt  }
0x44: {  	_ =	shalt  }
0x45: {  	_ =	shalt  }
0x46: {  	_ =	shalt  }
0x47: {  	_ =	shalt  }
0x48: {  	_ =	shalt  }
0x49: {  	_ =	shalt  }
0x4a: {  	_ =	shalt  }
0x4b: {  	_ =	shalt  }
0x4c: {  	_ =	shalt  }
0x4d: {  	_ =	shalt  }
0x4e: {  	_ =	shalt  }
0x4f: {  	_ =	shalt  }
0x50: {  	_ =	shalt  }
0x51: {  	_ =	shalt  }
0x52: {  	_ =	shalt  }
0x53: {  	_ =	shalt  }
0x54: {  	_ =	shalt  }
0x55: {  	_ =	shalt  }
0x56: {  	_ =	shalt  }
0x57: {  	_ =	shalt  }
0x58: {  	_ =	shalt  }
0x59: {  	_ =	shalt  }
0x5a: {  	_ =	shalt  }
0x5b: {  	_ =	shalt  }
0x5c: {  	_ =	shalt  }
0x5d: {  	_ =	shalt  }
0x5e: {  	_ =	shalt  }
0x5f: {  	_ =	shalt  }
0x60: {  	_ =	shalt  }
0x61: {  	_ =	shalt  }
0x62: {  	_ =	shalt  }
0x63: {  	_ =	shalt  }
0x64: {  	_ =	shalt  }
0x65: {  	_ =	shalt  }
0x66: {  	_ =	shalt  }
0x67: {  	_ =	shalt  }
0x68: {  	_ =	shalt  }
0x69: {  	_ =	shalt  }
0x6a: {  	_ =	shalt  }
0x6b: {  	_ =	shalt  }
0x6c: {  	_ =	shalt  }
0x6d: {  	_ =	shalt  }
0x6e: {  	_ =	shalt  }
0x6f: {  	_ =	shalt  }
0x70: {  	_ =	shalt  }
0x71: {  	_ =	shalt  }
0x72: {  	_ =	shalt  }
0x73: {  	_ =	shalt  }
0x74: {  	_ =	shalt  }
0x75: {  	_ =	shalt  }
0x76: {  	_ =	shalt  }
0x77: {  	_ =	shalt  }
0x78: {  	_ =	shalt  }
0x79: {  	_ =	shalt  }
0x7a: {  	_ =	shalt  }
0x7b: {  	_ =	shalt  }
0x7c: {  	_ =	shalt  }
0x7d: {  	_ =	shalt  }
0x7e: {  	_ =	shalt  }
0x7f: {  	_ =	shalt  }
0x80: {  	_ =	shalt  }
0x81: {  	_ =	shalt  }
0x82: {  	_ =	shalt  }
0x83: {  	_ =	shalt  }
0x84: {  	_ =	shalt  }
0x85: {  	_ =	shalt  }
0x86: {  	_ =	shalt  }
0x87: {  	_ =	shalt  }
.Lfunc_end0:
.L_simem_size_0:
called_computation_lowered:
.L_overlay_start_0:
0x88: {  	s2 =	sld [smem:$0x3FD9]  }
0x89: {  	s3 =	sld [smem:$0x3FFE];
	_ =	sdelay $0x1  }
0x8a: {  	s1 =	srdreg.scid  }
0x8b: {  	s0 =	sand.u32 $0x1, s1  }
0x8c: {  	s14 =	sshll.u32 s0, $0xA;
	s2 =	sadd.s32 s3, s2  }
0x8d: {  	s2 =	sadd.s32 s2, s14  }
0x8e: {  	[smem:$0x3FBE] =	sst s2  }
0x8f: {  	_ = 	snop  }
0x90: {  	s2 =	sld [smem:$0x3FD0];
	_ =	sdelay $0x2  }
0x91: {  	s15 =	simm.s32 $0xA;
	s4 =	simm.s32 $0x10  }
0x92: {  	[smem:s4], [sflag:s15] =	dma.local [hbm:s2], $0x1  }
0x93: {  	_ =	swait.eq [sflag:s15], $0x1  }
0x94: {  	s16 =	sld [smem:$0x10];
	[sflag:s15] =	ssyncset.done $0x0  }
0x95: {  	s17 =	sld [smem:$0x11];
	[sflag:s15] =	ssyncadd.s32 $0xFFFFFFFF  }
0x96: {  	s18 =	sld [smem:$0x13];
	(tm) =	ssettm $0x1  }
0x97: {  	s5 =	sld [smem:$0x3FFB];
	_ =	sdelay $0x3  }
0x98: {  	_ =	strace s5  }
0x99: {  	s5 =	sld [smem:$0x3FFC];
	_ =	sdelay $0x3  }
0x9a: {  	_ =	strace s5  }
0x9b: {  	s5 =	sld [smem:$0x3FFD];
	_ =	sdelay $0x3  }
0x9c: {  	_ =	strace s5  }
0x9d: {  	_ =	strace $0x8FFFFFFF  }
0x9e: {  	s19 =	sld [smem:$0x3FDB];
	_ =	sdelay $0x1  }
0x9f: {  	s6 =	simm.s32 $_scs_section_size  }
0xa0: {  	s7 =	simm.s32 $_size__tile_overlayer_lowered;
	s8 =	simm.s32 $_tile_overlayer_lowered  }
0xa1: {  	s22 =	simm.s32 $0x1BFF;
	s21 =	sshll.u32 s8, $0x1;
	s5 =	sadd.s32 s6, s19  }
0xa2: {  	s9 =	simm.s32 $0x0;
	s20 =	sshll.u32 s7, $0x1;
	s7 =	sadd.s32 s21, s5  }
0xa3: {  	[timem:s9], [sflag:s22] =	dma.local [hbm:s7], s20  }
0xa4: {  	_ =	swait.ge [sflag:s22], s20  }
0xa5: {  	s6 =	ssub.s32 $0x0, s20;
	[sflag:s22] =	ssyncset.done $0x0  }
0xa6: {  	[sflag:s22] =	ssyncadd.s32 s6;
	_ =	sdelay $0x1  }
0xa7: {  	s23 =	simm.s32 $0x1B8B  }
0xa8: {  	_ =	swait.ge [sflag:s23], $0x1  }
0xa9: {  	[sflag:s23] =	ssyncset.done $0x0  }
0xaa: {  	s25 =	simm.s32 $0x1B8E;
	s24 =	sld [smem:$0x3FFE];
	[sflag:s23] =	ssyncadd.s32 $0xFFFFFFFF  }
0xab: {  	s26 =	simm.s32 $execute0_lowered;
	[smem:$0x3FD2] =	sst s25  }
0xac: {  	s7 =	sshll.u32 s26, $0x1;
	_ =	strace $0x80000046;
	[dreg:$0x1] =	wrdreg $0xFFFFFFFF  }
0xad: {  	s28 =	simm.s32 $_size_execute0_lowered;
	s5 =	sadd.s32 s5, s7;
	[dreg:$0x0] =	wrdreg $0x0  }
0xae: {  	s7 =	sshll.u32 s28, $0x1;
	[dreg:$0x2] =	wrdreg s5  }
0xaf: {  	[dreg:$0x3] =	wrdreg s7  }
0xb0: {  	[dreg:$0x4] =	wrdreg $0xC0  }
0xb1: {  	_ =	task [dreg:s9], $0x5FFFF  }
0xb2: {  	[dreg:$0x1] =	wrdreg $0xFFFFFFFF  }
0xb3: {  	[dreg:$0x0] =	wrdreg $0x60  }
0xb4: {  	[dreg:$0x2] =	wrdreg s24  }
0xb5: {  	[dreg:$0x3] =	wrdreg s17  }
0xb6: {  	[dreg:$0x4] =	wrdreg s16  }
0xb7: {  	[dreg:$0x5] =	wrdreg s18  }
0xb8: {  	[dreg:$0x6] =	wrdreg $0x2C100  }
0xb9: {  	[dreg:$0x7] =	wrdreg $0x9  }
0xba: {  	_ =	task.clear_ibuf [dreg:s9], $0x8FFFF;
	_ =	strace $0x90000046  }
0xbb: {  	s29 =	simm.s32 $0x9;
	_ =	strace $0x80000048  }
0xbc: {  	_ =	swait.ge [sflag:s29], $0x1  }
0xbd: {  	[sflag:s29] =	ssyncadd.s32 $0xFFFFFFFF  }
0xbe: {  	_ =	strace $0x90000048  }
0xbf: {  	_ =	sfence  }
0xc0: {  	s30 =	sld [smem:$0x0];
	_ =	sdelay $0x2  }
0xc1: {  	s31 =	sshll.u32 s1, $0xD;
	s1 =	sshrl.u32 s1, $0x2  }
0xc2: {  	s3 =	sand.u32 $0x4000, s31;
	s1 =	sadd.s32 s1, s30  }
0xc3: {  	s0 =	sor.u32 s3, s0;
	s1 =	sshll.u32 s1, $0x11  }
0xc4: {  	s0 =	sor.u32 s1, s0  }
0xc5: {  	s0 =	sadd.s32 $0x8F2B, s0  }
0xc6: {  	[sflag:s0] =	ssyncadd.remote.s32 $0x1  }
0xc7: {  	_ =	sfence.sel $0xFFFF  }
0xc8: {  	[dreg:$0x0] =	wrdreg $0xFFFFFFFF;
	(pc) =	sbr.abs _section_cstart, $3  }
0xc9: {  	[dreg:$0x1] =	wrdreg $0xFFFFFFFF  }
0xca: {  	_ =	task.clear_ibuf [dreg:s9], $0x2FFFF;
	_ =	strace $0x9FFFFFFF  }
0xcb: {  	(tm) =	ssettm $0x7FFFFFFF  }
tec
execute0_lowered:
.L_overlay_start_1:
0x0: {  	(tag) =	ssettag $0x1  }
0x1: {  	s6 =	rddreg [dreg:$0x0]  }
0x2: {  	s1 =	rddreg [dreg:$0x1]  }
0x3: {  	s3 =	rddreg [dreg:$0x2]  }
0x4: {  	s8 =	rddreg [dreg:$0x3]  }
0x5: {  	s4 =	rddreg [dreg:$0x4]  }
0x6: {  	s5 =	srdreg.scid;
	s2 =	stileid.u32  }
0x7: {  	s0 =	rddreg [dreg:$0x5];
	s14 =	simm.s32 $0x1;
	s15 =	simm.s32 $0x2  }
0x8: {  	s16 =	simm.s32 $0x3;
	s17 =	simm.s32 $0x4;
	s18 =	simm.s32 $0x5  }
0x9: {  	s19 =	simm.s32 $0x6;
	s20 =	simm.s32 $0x2580;
	s21 =	simm.s32 $0x25D0  }
0xa: {  	s22 =	simm.s32 $0x2620;
	s23 =	simm.s32 $0x2670;
	s24 =	simm.s32 $0x26C0  }
0xb: {  	s25 =	simm.s32 $0x0;
	s7 =	sand.u32 $0x1, s5;
	s9 =	sshll.u32 s2, $0x1  }
0xc: {  	s5 =	simm.s32 $0x0;
	s10 =	smul.u32 $0x2710, s2;
	s13 =	sshll.u32 s2, $0x6  }
0xd: {  	s9 =	sor.u32 s7, s9;
	s11 =	ssub.s32 $0x2, s7;
	s7 =	smul.u32 $0x27100, s7  }
0xe: {  	[smem:$0x7FF] =	sst s5;
	s9 =	smul.u32 $0x2710, s9;
	s12 =	sshrl.u32 s11, $0x1  }
0xf: {  	_ =	strace $0x80000047;
	s30 =	sadd.s32 s10, s4;
	s11 =	ssub.s32 s11, s12  }
0x10: {  	s10 =	sadd.s32 s10, s7;
	s12 =	simm.s32 $0x2710;
	s9 =	sshrl.u32 s9, $0x3  }
0x11: {  	s31 =	sshrl.u32 s10, $0x3;
	s10 =	sshrl.u32 s30, $0x3;
	s9 =	sadd.s32 s6, s9  }
0x12: {  	s6 =	sor.u32 $0x1C07, s13;
	s8 =	sadd.s32 s8, s31;
	s13 =	simm.s32 $0x50  }
0x13: {  	s7 =	sadd.s32 $0xCC40, s9;
	s9 =	smax.u32 s11, $0x1;
	s11 =	simm.s32 $0x7  }
.LBB2_1:
0x14: {  	[spmem:s10], [sflag:s6] =	dma.local [hbm:s1], $0x4E2  }
0x15: {  	_ =	swait.ge [sflag:s11], $0x4E2  }
0x16: {  	[sflag:s11] =	ssyncset.done $0x0  }
0x17: {  	[sflag:s11] =	ssyncadd.s32 $0xFFFFFB1E  }
0x18: {  	[tilespmem:s5], [sflag:$0x7] =	stream.linear.gather [hbm4b:s7+s5], $0x2710, $0x38;
	[tilespmem:$0x5320] =	vst v63  }
0x19: {  	_ =	swait.ge [sflag:s11], $0x2710  }
0x1a: {  	[sflag:s11] =	ssyncset.done $0x0  }
0x1b: {  	[sflag:s11] =	ssyncadd.s32 $0xFFFFD8F0  }
0x1c: {  	[tilespmem:s12], [sflag:$0x7] =	stream.linear.gather [hbm4b:s3+s5], $0x500, $0x38;
	[tilespmem:$0x5320] =	vst v63  }
0x1d: {  	_ =	swait.ge [sflag:s11], $0x500  }
0x1e: {  	[sflag:s11] =	ssyncset.done $0x0  }
0x1f: {  	[sflag:s11] =	ssyncadd.s32 $0xFFFFFB00  }
0x20: {  	s26 =	simm.s32 $0x0;
	[bflag:$0x0] =	sbarrier.arrive $0xFFFF  }
0x21: {  	[spmem:s4] =	stream.indirect.scatter.add.f32 [tilespmem:s12], [sflag:$0x1], $0x10, s26, s13, $0xb8;
	[tilespmem:$0x5320] =	vst v63  }
0x22: {  	s30 =	simm.s32 $0x50  }
0x23: {  	[spmem:s4] =	stream.indirect.scatter.add.f32 [tilespmem:s12], [sflag:$0x2], $0x10, s30, s13, $0xb8;
	[tilespmem:$0x5320] =	vst v63  }
0x24: {  	s31 =	simm.s32 $0xA0  }
0x25: {  	[spmem:s4] =	stream.indirect.scatter.add.f32 [tilespmem:s12], [sflag:$0x3], $0x10, s31, s13, $0xb8;
	[tilespmem:$0x5320] =	vst v63  }
0x26: {  	s29 =	simm.s32 $0xF0  }
0x27: {  	[spmem:s4] =	stream.indirect.scatter.add.f32 [tilespmem:s12], [sflag:$0x4], $0x10, s29, s13, $0xb8;
	[tilespmem:$0x5320] =	vst v63  }
0x28: {  	s30 =	simm.s32 $0x140  }
0x29: {  	[spmem:s4] =	stream.indirect.scatter.add.f32 [tilespmem:s12], [sflag:$0x5], $0x10, s30, s13, $0xb8;
	[tilespmem:$0x5320] =	vst v63  }
0x2a: {  	s31 =	simm.s32 $0x190  }
0x2b: {  	[spmem:s4] =	stream.indirect.scatter.add.f32 [tilespmem:s12], [sflag:$0x6], $0x10, s31, s13, $0xb8;
	[tilespmem:$0x5320] =	vst v63  }
0x2c: {  	_ =	swait.ge [sflag:s14], $0x500  }
0x2d: {  	[sflag:s14] =	ssyncset.done $0x0  }
0x2e: {  	[sflag:s14] =	ssyncadd.s32 $0xFFFFFB00  }
0x2f: {  	_ =	swait.ge [sflag:s15], $0x500  }
0x30: {  	[sflag:s15] =	ssyncset.done $0x0  }
0x31: {  	[sflag:s15] =	ssyncadd.s32 $0xFFFFFB00  }
0x32: {  	_ =	swait.ge [sflag:s16], $0x500  }
0x33: {  	[sflag:s16] =	ssyncset.done $0x0  }
0x34: {  	[sflag:s16] =	ssyncadd.s32 $0xFFFFFB00  }
0x35: {  	_ =	swait.ge [sflag:s17], $0x500  }
0x36: {  	[sflag:s17] =	ssyncset.done $0x0  }
0x37: {  	[sflag:s17] =	ssyncadd.s32 $0xFFFFFB00  }
0x38: {  	_ =	swait.ge [sflag:s18], $0x500  }
0x39: {  	[sflag:s18] =	ssyncset.done $0x0  }
0x3a: {  	[sflag:s18] =	ssyncadd.s32 $0xFFFFFB00  }
0x3b: {  	_ =	swait.ge [sflag:s19], $0x500  }
0x3c: {  	s28 =	simm.s32 $0xF00;
	s26 =	simm.s32 $0x780;
	[sflag:s19] =	ssyncset.done $0x0  }
.LBB2_2:
0x3d: {  	s29 =	sshra.s32 s26, $0x2  }
0x3e: {  	[sflag:s19] =	ssyncadd.s32 $0xFFFFFB00;
	s26 =	smov.u32 s28;
	s30 =	sadd.s32 $0x780, s28  }
0x3f: {  	[spmem:s4] =	stream.indirect.scatter.add.f32 [tilespmem:s12], [sflag:$0x1], $0x10, s29, s13, $0xb8;
	[tilespmem:$0x5320] =	vst v63  }
0x40: {  	p0 =	sne.s32 s28, $0x8E80;
	s28 =	sadd.s32 $0x50, s29  }
0x41: {  	[spmem:s4] =	stream.indirect.scatter.add.f32 [tilespmem:s12], [sflag:$0x2], $0x10, s28, s13, $0xb8;
	[tilespmem:$0x5320] =	vst v63  }
0x42: {  	s28 =	sadd.s32 $0xA0, s29  }
0x43: {  	[spmem:s4] =	stream.indirect.scatter.add.f32 [tilespmem:s12], [sflag:$0x3], $0x10, s28, s13, $0xb8;
	[tilespmem:$0x5320] =	vst v63  }
0x44: {  	s28 =	sadd.s32 $0xF0, s29  }
0x45: {  	[spmem:s4] =	stream.indirect.scatter.add.f32 [tilespmem:s12], [sflag:$0x4], $0x10, s28, s13, $0xb8;
	[tilespmem:$0x5320] =	vst v63  }
0x46: {  	s28 =	sadd.s32 $0x140, s29  }
0x47: {  	[spmem:s4] =	stream.indirect.scatter.add.f32 [tilespmem:s12], [sflag:$0x5], $0x10, s28, s13, $0xb8;
	[tilespmem:$0x5320] =	vst v63  }
0x48: {  	s28 =	sadd.s32 $0x190, s29  }
0x49: {  	[spmem:s4] =	stream.indirect.scatter.add.f32 [tilespmem:s12], [sflag:$0x6], $0x10, s28, s13, $0xb8;
	[tilespmem:$0x5320] =	vst v63  }
0x4a: {  	_ =	swait.ge [sflag:s14], $0x500  }
0x4b: {  	[sflag:s14] =	ssyncset.done $0x0  }
0x4c: {  	[sflag:s14] =	ssyncadd.s32 $0xFFFFFB00  }
0x4d: {  	_ =	swait.ge [sflag:s15], $0x500  }
0x4e: {  	[sflag:s15] =	ssyncset.done $0x0  }
0x4f: {  	[sflag:s15] =	ssyncadd.s32 $0xFFFFFB00  }
0x50: {  	_ =	swait.ge [sflag:s16], $0x500  }
0x51: {  	[sflag:s16] =	ssyncset.done $0x0  }
0x52: {  	[sflag:s16] =	ssyncadd.s32 $0xFFFFFB00  }
0x53: {  	_ =	swait.ge [sflag:s17], $0x500  }
0x54: {  	[sflag:s17] =	ssyncset.done $0x0  }
0x55: {  	[sflag:s17] =	ssyncadd.s32 $0xFFFFFB00  }
.Ltmp0:
0x56: {  	_ =	swait.ge [sflag:s18], $0x500;
	(pc) =	sbr.rel @p0 .LBB2_2-.Ltmp0, $4  }
0x57: {  	[sflag:s18] =	ssyncset.done $0x0  }
0x58: {  	[sflag:s18] =	ssyncadd.s32 $0xFFFFFB00  }
0x59: {  	_ =	swait.ge [sflag:s19], $0x500  }
0x5a: {  	s28 =	smov.u32 s30;
	[sflag:s19] =	ssyncset.done $0x0  }
0x5b: {  	s26 =	sshra.s32 s26, $0x2;
	[sflag:s19] =	ssyncadd.s32 $0xFFFFFB00  }
0x5c: {  	[spmem:s4] =	stream.indirect.scatter.add.f32 [tilespmem:s12], [sflag:$0x1], $0x10, s26, s13, $0xb8;
	[tilespmem:$0x5320] =	vst v63  }
0x5d: {  	s28 =	sadd.s32 $0x50, s26  }
0x5e: {  	[spmem:s4] =	stream.indirect.scatter.add.f32 [tilespmem:s12], [sflag:$0x2], $0x10, s28, s13, $0xb8;
	[tilespmem:$0x5320] =	vst v63  }
0x5f: {  	s29 =	sadd.s32 $0xA0, s26  }
0x60: {  	[spmem:s4] =	stream.indirect.scatter.add.f32 [tilespmem:s12], [sflag:$0x3], $0x10, s29, s13, $0xb8;
	[tilespmem:$0x5320] =	vst v63  }
0x61: {  	s30 =	sadd.s32 $0xF0, s26  }
0x62: {  	[spmem:s4] =	stream.indirect.scatter.add.f32 [tilespmem:s12], [sflag:$0x4], $0x10, s30, s13, $0xb8;
	[tilespmem:$0x5320] =	vst v63  }
0x63: {  	s31 =	sadd.s32 $0x140, s26  }
0x64: {  	[spmem:s4] =	stream.indirect.scatter.add.f32 [tilespmem:s12], [sflag:$0x5], $0x10, s31, s13, $0xb8;
	[tilespmem:$0x5320] =	vst v63  }
0x65: {  	s26 =	sadd.s32 $0x190, s26  }
0x66: {  	[spmem:s4] =	stream.indirect.scatter.add.f32 [tilespmem:s12], [sflag:$0x6], $0x10, s26, s13, $0xb8;
	[tilespmem:$0x5320] =	vst v63  }
0x67: {  	_ =	swait.ge [sflag:s14], $0x500  }
0x68: {  	[sflag:s14] =	ssyncset.done $0x0  }
0x69: {  	[sflag:s14] =	ssyncadd.s32 $0xFFFFFB00  }
0x6a: {  	_ =	swait.ge [sflag:s15], $0x500  }
0x6b: {  	[sflag:s15] =	ssyncset.done $0x0  }
0x6c: {  	[sflag:s15] =	ssyncadd.s32 $0xFFFFFB00  }
0x6d: {  	_ =	swait.ge [sflag:s16], $0x500  }
0x6e: {  	[sflag:s16] =	ssyncset.done $0x0  }
0x6f: {  	[sflag:s16] =	ssyncadd.s32 $0xFFFFFB00  }
0x70: {  	_ =	swait.ge [sflag:s17], $0x500  }
0x71: {  	[sflag:s17] =	ssyncset.done $0x0  }
0x72: {  	[sflag:s17] =	ssyncadd.s32 $0xFFFFFB00  }
0x73: {  	_ =	swait.ge [sflag:s18], $0x500  }
0x74: {  	[sflag:s18] =	ssyncset.done $0x0  }
0x75: {  	[sflag:s18] =	ssyncadd.s32 $0xFFFFFB00  }
0x76: {  	_ =	swait.ge [sflag:s19], $0x500  }
0x77: {  	[sflag:s19] =	ssyncset.done $0x0  }
0x78: {  	[sflag:s19] =	ssyncadd.s32 $0xFFFFFB00  }
0x79: {  	[spmem:s4] =	stream.indirect.scatter.add.f32 [tilespmem:s12], [sflag:$0x1], $0x10, s20, s13, $0xb8;
	[tilespmem:$0x5320] =	vst v63  }
0x7a: {  	_ = 	snop  }
0x7b: {  	[spmem:s4] =	stream.indirect.scatter.add.f32 [tilespmem:s12], [sflag:$0x2], $0x10, s21, s13, $0xb8;
	[tilespmem:$0x5320] =	vst v63  }
0x7c: {  	_ = 	snop  }
0x7d: {  	[spmem:s4] =	stream.indirect.scatter.add.f32 [tilespmem:s12], [sflag:$0x3], $0x10, s22, s13, $0xb8;
	[tilespmem:$0x5320] =	vst v63  }
0x7e: {  	_ = 	snop  }
0x7f: {  	[spmem:s4] =	stream.indirect.scatter.add.f32 [tilespmem:s12], [sflag:$0x4], $0x10, s23, s13, $0xb8;
	[tilespmem:$0x5320] =	vst v63  }
0x80: {  	_ = 	snop  }
0x81: {  	[spmem:s4] =	stream.indirect.scatter.add.f32 [tilespmem:s12], [sflag:$0x5], $0x10, s24, s13, $0xb8;
	[tilespmem:$0x5320] =	vst v63  }
0x82: {  	_ =	swait.ge [sflag:s14], $0x500  }
0x83: {  	[sflag:s14] =	ssyncset.done $0x0  }
0x84: {  	[sflag:s14] =	ssyncadd.s32 $0xFFFFFB00  }
0x85: {  	_ =	swait.ge [sflag:s15], $0x500  }
0x86: {  	[sflag:s15] =	ssyncset.done $0x0  }
0x87: {  	[sflag:s15] =	ssyncadd.s32 $0xFFFFFB00  }
0x88: {  	_ =	swait.ge [sflag:s16], $0x500  }
0x89: {  	[sflag:s16] =	ssyncset.done $0x0  }
0x8a: {  	[sflag:s16] =	ssyncadd.s32 $0xFFFFFB00  }
0x8b: {  	_ =	swait.ge [sflag:s17], $0x500  }
0x8c: {  	[sflag:s17] =	ssyncset.done $0x0  }
0x8d: {  	[sflag:s17] =	ssyncadd.s32 $0xFFFFFB00  }
0x8e: {  	_ =	swait.ge [sflag:s18], $0x500  }
0x8f: {  	s25 =	sadd.s32 $0x1, s25;
	[sflag:s18] =	ssyncset.done $0x0  }
0x90: {  	p0 =	sne.s32 s25, s9;
	[sflag:s18] =	ssyncadd.s32 $0xFFFFFB00  }
.Ltmp1:
0x91: {  	[bflag:$0x0] =	sbarrier.arrive $0xFFFF;
	(pc) =	sbr.rel @p0 .LBB2_1-.Ltmp1, $4  }
0x92: {  	[hbm:s8], [sflag:s6] =	dma.local [spmem:s10], $0x4E2  }
0x93: {  	_ =	swait.ge [sflag:s11], $0x4E2  }
0x94: {  	[sflag:s11] =	ssyncset.done $0x0  }
0x95: {  	[sflag:s11] =	ssyncadd.s32 $0xFFFFFB1E  }
0x96: {  	_ =	sfence.sel $0x180000  }
0x97: {  	[bflag:$0x0] =	sbarrier.arrive $0xFFFF  }
0x98: {  	p0 =	sne.s32 s2, $0x0;
	_ =	strace $0x90000047  }
0x99: {  	s0 =	sadd.s32 @!p0 $0x100000, s0;
	[bflag:$0x2] =	sbarrier.arrive $0xFFFF  }
0x9a: {  	[sflag:s0] =	ssyncadd.tile.s32 @!p0 $0x1;
	_ =	shalt  }
.Lfunc_end2:
_tile_overlayer_lowered:
.L_overlay_start_2:
0x9b: {  	(tag) =	ssettag $0x2  }
0x9c: {  	s0 =	rddreg [dreg:$0x0];
	s2 =	stileid.u32  }
0x9d: {  	s1 =	rddreg [dreg:$0x1];
	p0 =	sne.s32 s2, $0x0  }
0x9e: {  	s3 =	rddreg [dreg:$0x2];
	[bflag:$0x3] =	sbarrier.arrive $0xFFFF;
	s2 =	simm.s32 @!p0 $0x1C07  }
0x9f: {  	[timem:s3], [sflag:s2] =	dma.local @!p0 [hbm:s0], s1  }
0xa0: {  	s0 =	simm.s32 @!p0 $0x7  }
0xa1: {  	_ =	swait.ge @!p0 [sflag:s0], s1  }
0xa2: {  	s1 =	ssub.s32 @!p0 $0x0, s1;
	[sflag:s0] =	ssyncset.done @!p0 $0x0  }
0xa3: {  	[sflag:s0] =	ssyncadd.s32 @!p0 s1  }
0xa4: {  	[bflag:$0x3] =	sbarrier.arrive $0xFFFF  }
0xa5: {  	_ =	shalt  }

</sc_bundles>
